<compile_context>
chip_gen: v7x
topology: tpu7x:2x2x1
jax: 0.10.2.dev20260603
libtpu: 0.0.44.dev20260713+nightly
codegen_flags: <defaults>
</compile_context>

<pallas_src>
import functools

import jax
import jax.numpy as jnp
from jax import lax
from jax.experimental import pallas as pl
from jax.experimental.pallas import tpu as pltpu
from jax.experimental.pallas import tpu_sc as plsc

H = 1024
I = 1024
E = 64
T = 2048
CHUNK = 64
NC, NS = 2, 16
NW = NC * NS
TPW = T // NW
P = 2560


def _gelu(v):
    return 0.5 * v * (1.0 + jnp.tanh(jnp.sqrt(2.0 / jnp.pi) * (v + 0.044715 * v ** 3)))


_SC_CACHE = {}


def _sc_kernels():
    if "dispatch" in _SC_CACHE:
        return _SC_CACHE["dispatch"], _SC_CACHE["collect"]
    mesh = plsc.VectorSubcoreMesh(core_axis_name="c", subcore_axis_name="s")

    @functools.partial(
        pl.kernel, mesh=mesh,
        out_type=jax.ShapeDtypeStruct((P, H), jnp.float32),
        scratch_types=[
            pltpu.VMEM((TPW,), jnp.int32),
            pltpu.VMEM((TPW, H), jnp.float32),
            pltpu.SemaphoreType.DMA,
        ],
    )
    def _sc_dispatch(x_hbm, pos_hbm, xs_hbm, pos_v, rows_v, sem):
        wid = lax.axis_index("s") * NC + lax.axis_index("c")
        base = wid * TPW
        pltpu.sync_copy(pos_hbm.at[pl.ds(base, TPW)], pos_v)
        pltpu.sync_copy(x_hbm.at[pl.ds(base, TPW)], rows_v)
        pltpu.async_copy(rows_v, xs_hbm.at[pos_v], sem).wait()

    @functools.partial(
        pl.kernel, mesh=mesh,
        out_type=jax.ShapeDtypeStruct((T, H), jnp.float32),
        scratch_types=[
            pltpu.VMEM((TPW,), jnp.int32),
            pltpu.VMEM((TPW, H), jnp.float32),
            pltpu.SemaphoreType.DMA,
        ],
    )
    def _sc_collect(ys_hbm, pos_hbm, out_hbm, pos_v, rows_v, sem):
        wid = lax.axis_index("s") * NC + lax.axis_index("c")
        base = wid * TPW
        pltpu.sync_copy(pos_hbm.at[pl.ds(base, TPW)], pos_v)
        pltpu.async_copy(ys_hbm.at[pos_v], rows_v, sem).wait()
        pltpu.sync_copy(rows_v, out_hbm.at[pl.ds(base, TPW)])

    _SC_CACHE["dispatch"] = _sc_dispatch
    _SC_CACHE["collect"] = _sc_collect
    return _sc_dispatch, _sc_collect


NSPL = 4


def _tc_body(poff_ref, xs_ref, ws_ref, *refs):
    w_refs, ys_ref = refs[:3 * NSPL], refs[3 * NSPL]
    e = pl.program_id(0)
    start = poff_ref[e]
    size = poff_ref[e + 1] - start
    nch = (size + CHUNK - 1) // CHUNK

    def dots(rows, parts):
        outs = [lax.dot_general(rows, r[0], (((1,), (1,)), ((), ())),
                                preferred_element_type=jnp.float32)
                for r in parts]
        return jnp.concatenate(outs, axis=1)

    def chunk(i, carry):
        base = pl.multiple_of(start + i * CHUNK, 8)
        rows = xs_ref[pl.ds(base, CHUNK), :]
        g = dots(rows, w_refs[:NSPL])
        u = dots(rows, w_refs[NSPL:2 * NSPL])
        h = _gelu(g) * u
        part = dots(h, w_refs[2 * NSPL:])
        ys_ref[pl.ds(base, CHUNK), :] = part * ws_ref[pl.ds(base, CHUNK), :]
        return carry

    lax.fori_loop(0, nch, chunk, 0)


def _tc_grouped(poff, xs, ws, Wg, Wu, Wd):
    w_specs = [pl.BlockSpec((1, I // NSPL, H), lambda e, j=j: (e, j, 0))
               for j in range(NSPL)]
    return pl.pallas_call(
        _tc_body,
        grid=(E,),
        in_specs=[
            pl.BlockSpec(memory_space=pltpu.SMEM),
            pl.BlockSpec((P, H), lambda e: (0, 0)),
            pl.BlockSpec((P, 1), lambda e: (0, 0)),
            *w_specs, *w_specs, *w_specs,
        ],
        out_specs=pl.BlockSpec((P, H), lambda e: (0, 0)),
        out_shape=jax.ShapeDtypeStruct((P, H), jnp.float32),
        compiler_params=pltpu.CompilerParams(
            dimension_semantics=("arbitrary",)),
    )(poff, xs, ws, *([Wg] * NSPL), *([Wu] * NSPL), *([Wd] * NSPL))


def _positions(fe, dtype=jnp.int32):
    NB = 16
    BL = T // NB
    oh3 = (fe.reshape(NB, BL)[:, :, None]
           == jnp.arange(E, dtype=jnp.int32)).astype(jnp.float32)
    tril = jnp.tril(jnp.ones((BL, BL), jnp.float32))
    inner = lax.dot_general(tril, oh3, (((1,), (1,)), ((), ())),
                            preferred_element_type=jnp.float32)
    inner = inner.transpose(1, 0, 2)
    blocks = jnp.sum(oh3, axis=1)
    bpref = jnp.cumsum(blocks, axis=0) - blocks
    csum3 = inner + bpref[:, None, :]
    rank = jnp.sum(oh3 * csum3, axis=-1).reshape(T) - 1.0
    counts = jnp.sum(blocks, axis=0).astype(dtype)
    pcounts = ((counts + 7) // 8) * 8
    poff = jnp.concatenate([jnp.zeros((1,), dtype),
                            jnp.cumsum(pcounts).astype(dtype)])
    pos = jnp.take(poff, fe) + rank.astype(dtype)
    return pos, poff


def kernel(x, selected_experts, routing_weights, Wg, Wu, Wd):
    fe = selected_experts.reshape(-1).astype(jnp.int32)
    fw = routing_weights.reshape(-1).astype(jnp.float32)
    pos, poff = _positions(fe)

    sc_dispatch, sc_collect = _sc_kernels()
    xs = sc_dispatch(x, pos)
    ws = jnp.zeros((P, 1), jnp.float32).at[pos, 0].set(fw)
    ys = _tc_grouped(poff, xs, ws, Wg, Wu, Wd)
    return sc_collect(ys, pos)

# --- scband reference (transcript-rebuilt; emitter-appended) ---
"""Pipeline reference for scband-gemma4-experts-46969762349450 (READ-ONLY COPY).

The authoritative reference and input builder live on the scoring server;
editing this copy changes nothing except your own understanding.
"""

import jax, jax.numpy as jnp
import numpy as np

HIDDEN = 1024
INTER = 1024
NUM_EXPERTS = 64
TOP_K = 1
TOKENS = 2048

def _gelu_tanh(v):
    return 0.5 * v * (1.0 + jnp.tanh(jnp.sqrt(2.0 / jnp.pi) * (v + 0.044715 * v ** 3)))

def setup_inputs(seed: int = 0):
    key = jax.random.key(seed)
    k = jax.random.split(key, 6)
    x = jax.random.normal(k[0], (TOKENS, HIDDEN), dtype=jnp.float32)
    selected_experts = jax.random.randint(k[1], (TOKENS, TOP_K), 0, NUM_EXPERTS, dtype=jnp.int32)
    routing_weights = jax.random.uniform(k[2], (TOKENS, TOP_K), dtype=jnp.float32)
    Wg = jax.random.normal(k[3], (NUM_EXPERTS, INTER, HIDDEN), dtype=jnp.float32) * 0.02
    Wu = jax.random.normal(k[4], (NUM_EXPERTS, INTER, HIDDEN), dtype=jnp.float32) * 0.02
    Wd = jax.random.normal(k[5], (NUM_EXPERTS, HIDDEN, INTER), dtype=jnp.float32) * 0.02
    return {"x": x, "selected_experts": selected_experts, "routing_weights": routing_weights, "Wg": Wg, "Wu": Wu, "Wd": Wd}

def reference(x, selected_experts, routing_weights, Wg, Wu, Wd):
    num_tokens, top_k = selected_experts.shape
    y = x.reshape(-1, HIDDEN)
    flat_experts = selected_experts.reshape(-1)
    flat_weights = routing_weights.reshape(-1).astype(jnp.float32)
    flat_tokens = jnp.repeat(jnp.arange(num_tokens), top_k)
    cur = jnp.take(y, flat_tokens, axis=0)
    final = jnp.zeros((num_tokens, HIDDEN), dtype=jnp.float32)
    for e in range(NUM_EXPERTS):
        mask = (flat_experts == e).astype(jnp.float32)
        g = cur @ Wg[e].T
        u = cur @ Wu[e].T
        h = _gelu_tanh(g) * u
        out = (h @ Wd[e].T) * (flat_weights * mask)[:, None]
        final = final.at[flat_tokens].add(out)
    return final.reshape(x.shape)

if __name__ == "__main__":
    import jax
    _d = setup_inputs()
    print(jax.jit(kernel)(*tuple(_d.values())))

</pallas_src>

<mosaic_0001>
#map = affine_map<(d0, d1) -> (0, 0)>
#map1 = affine_map<(d0, d1) -> (0)>
module attributes {stable_mosaic.version = 14 : i64} {
  func.func @_sc_dispatch(%arg0: i32, %arg1: i32, %arg2: memref<2048x1024xf32, #tpu.memory_space<hbm>>, %arg3: memref<2048xi32, #tpu.memory_space<hbm>>, %arg4: memref<2560x1024xf32, #tpu.memory_space<hbm>>, %arg5: memref<64xi32, #tpu.memory_space<vmem>>, %arg6: memref<64x1024xf32, #tpu.memory_space<vmem>>, %arg7: memref<!tpu.dma_semaphore, #tpu.memory_space<semaphore_mem>>) attributes {dimension_semantics = [#tpu.dimension_semantics<core_parallel>, #tpu.dimension_semantics<subcore_parallel>], iteration_bounds = array<i64: 2, 16>, scalar_prefetch = 0 : i64, scratch_operands = 3 : i64, tpu.core_type = #tpu.core_type<sc_vector_subcore>, window_params = [{transform_indices = #map}, {transform_indices = #map1}, {transform_indices = #map}]} {
    %mul3A = arith.constant 2 : i32
    %mul3A_0 = arith.muli %arg1, %mul3A : i32
    %add3A = arith.addi %mul3A_0, %arg0 : i32
    %mul3A_1 = arith.constant 64 : i32
    %mul3A_2 = arith.muli %add3A, %mul3A_1 : i32
    "tpu.region"() ({
      %run_scoped3A = tpu.sem_alloc : memref<!tpu.dma_semaphore, #tpu.memory_space<semaphore_mem>>
      %dma_start3A_7 = tpu.memref_slice %arg3[%mul3A_2] : memref<2048xi32, #tpu.memory_space<hbm>> -> memref<64xi32, #tpu.memory_space<hbm>>
      %dma_start3A_8 = tpu.memref_slice %arg3[%mul3A_2] : memref<2048xi32, #tpu.memory_space<hbm>> -> memref<64xi32, #tpu.memory_space<hbm>>
      tpu.enqueue_dma source(%dma_start3A_8 : memref<64xi32, #tpu.memory_space<hbm>>) target(%arg5 : memref<64xi32, #tpu.memory_space<vmem>>) target_semaphore(%run_scoped3A : memref<!tpu.dma_semaphore, #tpu.memory_space<semaphore_mem>>)
      %dma_wait3A_9 = tpu.memref_slice %arg3[%mul3A_2] : memref<2048xi32, #tpu.memory_space<hbm>> -> memref<64xi32, #tpu.memory_space<hbm>>
      %dma_wait3A_10 = tpu.memref_slice %arg3[%mul3A_2] : memref<2048xi32, #tpu.memory_space<hbm>> -> memref<64xi32, #tpu.memory_space<hbm>>
      tpu.wait_dma2 semaphore(%run_scoped3A : memref<!tpu.dma_semaphore, #tpu.memory_space<semaphore_mem>>) src(%dma_wait3A_10 : memref<64xi32, #tpu.memory_space<hbm>>) dst(%arg5 : memref<64xi32, #tpu.memory_space<vmem>>)
      tpu.yield
    }) : () -> ()
    "tpu.region"() ({
      %run_scoped3A = tpu.sem_alloc : memref<!tpu.dma_semaphore, #tpu.memory_space<semaphore_mem>>
      %dma_start3A_7 = arith.constant 0 : i32
      %dma_start3A_8 = tpu.memref_slice %arg2[%mul3A_2, %dma_start3A_7] : memref<2048x1024xf32, #tpu.memory_space<hbm>> -> memref<64x1024xf32, #tpu.memory_space<hbm>>
      %dma_start3A_9 = arith.constant 0 : i32
      %dma_start3A_10 = tpu.memref_slice %arg2[%mul3A_2, %dma_start3A_9] : memref<2048x1024xf32, #tpu.memory_space<hbm>> -> memref<64x1024xf32, #tpu.memory_space<hbm>>
      tpu.enqueue_dma source(%dma_start3A_10 : memref<64x1024xf32, #tpu.memory_space<hbm>>) target(%arg6 : memref<64x1024xf32, #tpu.memory_space<vmem>>) target_semaphore(%run_scoped3A : memref<!tpu.dma_semaphore, #tpu.memory_space<semaphore_mem>>)
      %dma_wait3A_11 = arith.constant 0 : i32
      %dma_wait3A_12 = tpu.memref_slice %arg2[%mul3A_2, %dma_wait3A_11] : memref<2048x1024xf32, #tpu.memory_space<hbm>> -> memref<64x1024xf32, #tpu.memory_space<hbm>>
      %dma_wait3A_13 = arith.constant 0 : i32
      %dma_wait3A_14 = tpu.memref_slice %arg2[%mul3A_2, %dma_wait3A_13] : memref<2048x1024xf32, #tpu.memory_space<hbm>> -> memref<64x1024xf32, #tpu.memory_space<hbm>>
      tpu.wait_dma2 semaphore(%run_scoped3A : memref<!tpu.dma_semaphore, #tpu.memory_space<semaphore_mem>>) src(%dma_wait3A_14 : memref<64x1024xf32, #tpu.memory_space<hbm>>) dst(%arg6 : memref<64x1024xf32, #tpu.memory_space<vmem>>)
      tpu.yield
    }) : () -> ()
    %dma_start3A = arith.constant 0 : i32
    %dma_start3A_3 = arith.constant 0 : i32
    %dma_start3A_4 = tpu.memref_slice %arg4[%dma_start3A, %dma_start3A_3] : memref<2560x1024xf32, #tpu.memory_space<hbm>> -> memref<2560x1024xf32, #tpu.memory_space<hbm>>
    tpu.enqueue_indirect_dma source(%arg6 : memref<64x1024xf32, #tpu.memory_space<vmem>>) target(%dma_start3A_4 : memref<2560x1024xf32, #tpu.memory_space<hbm>>) offsets(%arg5 : memref<64xi32, #tpu.memory_space<vmem>>) semaphore(%arg7 : memref<!tpu.dma_semaphore, #tpu.memory_space<semaphore_mem>>)
    %dma_wait3A = arith.constant 0 : i32
    %dma_wait3A_5 = arith.constant 0 : i32
    %dma_wait3A_6 = tpu.memref_slice %arg4[%dma_wait3A, %dma_wait3A_5] : memref<2560x1024xf32, #tpu.memory_space<hbm>> -> memref<2560x1024xf32, #tpu.memory_space<hbm>>
    tpu.wait_indirect_dma semaphore(%arg7 : memref<!tpu.dma_semaphore, #tpu.memory_space<semaphore_mem>>) src(%arg6 : memref<64x1024xf32, #tpu.memory_space<vmem>>) dst(%dma_wait3A_6 : memref<2560x1024xf32, #tpu.memory_space<hbm>>)
    return
  }
}

#map = affine_map<(d0, d1) -> (0, 0)>
#map1 = affine_map<(d0, d1) -> (0)>
module attributes {stable_mosaic.version = 14 : i64} {
  func.func @_sc_collect(%arg0: i32, %arg1: i32, %arg2: memref<2560x1024xf32, #tpu.memory_space<hbm>>, %arg3: memref<2048xi32, #tpu.memory_space<hbm>>, %arg4: memref<2048x1024xf32, #tpu.memory_space<hbm>>, %arg5: memref<64xi32, #tpu.memory_space<vmem>>, %arg6: memref<64x1024xf32, #tpu.memory_space<vmem>>, %arg7: memref<!tpu.dma_semaphore, #tpu.memory_space<semaphore_mem>>) attributes {dimension_semantics = [#tpu.dimension_semantics<core_parallel>, #tpu.dimension_semantics<subcore_parallel>], iteration_bounds = array<i64: 2, 16>, scalar_prefetch = 0 : i64, scratch_operands = 3 : i64, tpu.core_type = #tpu.core_type<sc_vector_subcore>, window_params = [{transform_indices = #map}, {transform_indices = #map1}, {transform_indices = #map}]} {
    %mul3A = arith.constant 2 : i32
    %mul3A_0 = arith.muli %arg1, %mul3A : i32
    %add3A = arith.addi %mul3A_0, %arg0 : i32
    %mul3A_1 = arith.constant 64 : i32
    %mul3A_2 = arith.muli %add3A, %mul3A_1 : i32
    "tpu.region"() ({
      %run_scoped3A = tpu.sem_alloc : memref<!tpu.dma_semaphore, #tpu.memory_space<semaphore_mem>>
      %dma_start3A_7 = tpu.memref_slice %arg3[%mul3A_2] : memref<2048xi32, #tpu.memory_space<hbm>> -> memref<64xi32, #tpu.memory_space<hbm>>
      %dma_start3A_8 = tpu.memref_slice %arg3[%mul3A_2] : memref<2048xi32, #tpu.memory_space<hbm>> -> memref<64xi32, #tpu.memory_space<hbm>>
      tpu.enqueue_dma source(%dma_start3A_8 : memref<64xi32, #tpu.memory_space<hbm>>) target(%arg5 : memref<64xi32, #tpu.memory_space<vmem>>) target_semaphore(%run_scoped3A : memref<!tpu.dma_semaphore, #tpu.memory_space<semaphore_mem>>)
      %dma_wait3A_9 = tpu.memref_slice %arg3[%mul3A_2] : memref<2048xi32, #tpu.memory_space<hbm>> -> memref<64xi32, #tpu.memory_space<hbm>>
      %dma_wait3A_10 = tpu.memref_slice %arg3[%mul3A_2] : memref<2048xi32, #tpu.memory_space<hbm>> -> memref<64xi32, #tpu.memory_space<hbm>>
      tpu.wait_dma2 semaphore(%run_scoped3A : memref<!tpu.dma_semaphore, #tpu.memory_space<semaphore_mem>>) src(%dma_wait3A_10 : memref<64xi32, #tpu.memory_space<hbm>>) dst(%arg5 : memref<64xi32, #tpu.memory_space<vmem>>)
      tpu.yield
    }) : () -> ()
    %dma_start3A = arith.constant 0 : i32
    %dma_start3A_3 = arith.constant 0 : i32
    %dma_start3A_4 = tpu.memref_slice %arg2[%dma_start3A, %dma_start3A_3] : memref<2560x1024xf32, #tpu.memory_space<hbm>> -> memref<2560x1024xf32, #tpu.memory_space<hbm>>
    tpu.enqueue_indirect_dma source(%dma_start3A_4 : memref<2560x1024xf32, #tpu.memory_space<hbm>>) target(%arg6 : memref<64x1024xf32, #tpu.memory_space<vmem>>) offsets(%arg5 : memref<64xi32, #tpu.memory_space<vmem>>) semaphore(%arg7 : memref<!tpu.dma_semaphore, #tpu.memory_space<semaphore_mem>>)
    %dma_wait3A = arith.constant 0 : i32
    %dma_wait3A_5 = arith.constant 0 : i32
    %dma_wait3A_6 = tpu.memref_slice %arg2[%dma_wait3A, %dma_wait3A_5] : memref<2560x1024xf32, #tpu.memory_space<hbm>> -> memref<2560x1024xf32, #tpu.memory_space<hbm>>
    tpu.wait_indirect_dma semaphore(%arg7 : memref<!tpu.dma_semaphore, #tpu.memory_space<semaphore_mem>>) src(%dma_wait3A_6 : memref<2560x1024xf32, #tpu.memory_space<hbm>>) dst(%arg6 : memref<64x1024xf32, #tpu.memory_space<vmem>>)
    "tpu.region"() ({
      %run_scoped3A = tpu.sem_alloc : memref<!tpu.dma_semaphore, #tpu.memory_space<semaphore_mem>>
      %dma_start3A_7 = arith.constant 0 : i32
      %dma_start3A_8 = tpu.memref_slice %arg4[%mul3A_2, %dma_start3A_7] : memref<2048x1024xf32, #tpu.memory_space<hbm>> -> memref<64x1024xf32, #tpu.memory_space<hbm>>
      %dma_start3A_9 = arith.constant 0 : i32
      %dma_start3A_10 = tpu.memref_slice %arg4[%mul3A_2, %dma_start3A_9] : memref<2048x1024xf32, #tpu.memory_space<hbm>> -> memref<64x1024xf32, #tpu.memory_space<hbm>>
      tpu.enqueue_dma source(%arg6 : memref<64x1024xf32, #tpu.memory_space<vmem>>) target(%dma_start3A_10 : memref<64x1024xf32, #tpu.memory_space<hbm>>) target_semaphore(%run_scoped3A : memref<!tpu.dma_semaphore, #tpu.memory_space<semaphore_mem>>)
      %dma_wait3A_11 = arith.constant 0 : i32
      %dma_wait3A_12 = tpu.memref_slice %arg4[%mul3A_2, %dma_wait3A_11] : memref<2048x1024xf32, #tpu.memory_space<hbm>> -> memref<64x1024xf32, #tpu.memory_space<hbm>>
      %dma_wait3A_13 = arith.constant 0 : i32
      %dma_wait3A_14 = tpu.memref_slice %arg4[%mul3A_2, %dma_wait3A_13] : memref<2048x1024xf32, #tpu.memory_space<hbm>> -> memref<64x1024xf32, #tpu.memory_space<hbm>>
      tpu.wait_dma2 semaphore(%run_scoped3A : memref<!tpu.dma_semaphore, #tpu.memory_space<semaphore_mem>>) src(%arg6 : memref<64x1024xf32, #tpu.memory_space<vmem>>) dst(%dma_wait3A_14 : memref<64x1024xf32, #tpu.memory_space<hbm>>)
      tpu.yield
    }) : () -> ()
    return
  }
}

module attributes {stable_mosaic.version = 14 : i64} {
  func.func @_tc_body(%arg0: i32, %arg1: memref<65xi32, #tpu.memory_space<smem>>, %arg2: memref<2560x1024xf32, #tpu.memory_space<vmem>>, %arg3: memref<2560x1xf32, #tpu.memory_space<vmem>>, %arg4: memref<1x256x1024xf32, #tpu.memory_space<vmem>>, %arg5: memref<1x256x1024xf32, #tpu.memory_space<vmem>>, %arg6: memref<1x256x1024xf32, #tpu.memory_space<vmem>>, %arg7: memref<1x256x1024xf32, #tpu.memory_space<vmem>>, %arg8: memref<1x256x1024xf32, #tpu.memory_space<vmem>>, %arg9: memref<1x256x1024xf32, #tpu.memory_space<vmem>>, %arg10: memref<1x256x1024xf32, #tpu.memory_space<vmem>>, %arg11: memref<1x256x1024xf32, #tpu.memory_space<vmem>>, %arg12: memref<1x256x1024xf32, #tpu.memory_space<vmem>>, %arg13: memref<1x256x1024xf32, #tpu.memory_space<vmem>>, %arg14: memref<1x256x1024xf32, #tpu.memory_space<vmem>>, %arg15: memref<1x256x1024xf32, #tpu.memory_space<vmem>>, %arg16: memref<2560x1024xf32, #tpu.memory_space<vmem>>) attributes {dimension_semantics = [#tpu.dimension_semantics<arbitrary>], iteration_bounds = array<i64: 64>, scalar_prefetch = 0 : i64, scratch_operands = 0 : i64, tpu.core_type = #tpu.core_type<tc>, window_params = [{transform_indices = @transform_0, window_bounds = array<i64: 65>}, {pipeline_mode = #tpu.pipeline_mode<synchronous>, transform_indices = @transform_1, window_bounds = array<i64: 2560, 1024>}, {pipeline_mode = #tpu.pipeline_mode<synchronous>, transform_indices = @transform_2, window_bounds = array<i64: 2560, 1>}, {transform_indices = @transform_3, window_bounds = array<i64: 1, 256, 1024>}, {transform_indices = @transform_4, window_bounds = array<i64: 1, 256, 1024>}, {transform_indices = @transform_5, window_bounds = array<i64: 1, 256, 1024>}, {transform_indices = @transform_6, window_bounds = array<i64: 1, 256, 1024>}, {transform_indices = @transform_7, window_bounds = array<i64: 1, 256, 1024>}, {transform_indices = @transform_8, window_bounds = array<i64: 1, 256, 1024>}, {transform_indices = @transform_9, window_bounds = array<i64: 1, 256, 1024>}, {transform_indices = @transform_10, window_bounds = array<i64: 1, 256, 1024>}, {transform_indices = @transform_11, window_bounds = array<i64: 1, 256, 1024>}, {transform_indices = @transform_12, window_bounds = array<i64: 1, 256, 1024>}, {transform_indices = @transform_13, window_bounds = array<i64: 1, 256, 1024>}, {transform_indices = @transform_14, window_bounds = array<i64: 1, 256, 1024>}, {pipeline_mode = #tpu.pipeline_mode<synchronous>, transform_indices = @transform_15, window_bounds = array<i64: 2560, 1024>}]} {
    %get3A = arith.index_cast %arg0 : i32 to index
    %get3A_0 = memref.load %arg1[%get3A] : memref<65xi32, #tpu.memory_space<smem>>
    %add3A = arith.constant 1 : i32
    %add3A_1 = arith.addi %arg0, %add3A : i32
    %get3A_2 = arith.index_cast %add3A_1 : i32 to index
    %get3A_3 = memref.load %arg1[%get3A_2] : memref<65xi32, #tpu.memory_space<smem>>
    %sub3A = arith.subi %get3A_3, %get3A_0 : i32
    %add3A_4 = arith.constant 64 : i32
    %add3A_5 = arith.addi %sub3A, %add3A_4 : i32
    %sub3A_6 = arith.constant 1 : i32
    %sub3A_7 = arith.subi %add3A_5, %sub3A_6 : i32
    %jit3A = arith.constant 64 : i32
    %div3A = arith.divsi %sub3A_7, %jit3A : i32
    %sign3A = arith.constant 0 : i32
    %sign3A_8 = arith.cmpi sgt, %sub3A_7, %sign3A : i32
    %sign3A_9 = arith.extui %sign3A_8 : i1 to i32
    %sign3A_10 = arith.constant 0 : i32
    %sign3A_11 = arith.cmpi slt, %sub3A_7, %sign3A_10 : i32
    %sign3A_12 = arith.extui %sign3A_11 : i1 to i32
    %sign3A_13 = arith.subi %sign3A_9, %sign3A_12 : i32
    %sign3A_14 = arith.constant 0 : i32
    %sign3A_15 = arith.cmpi sgt, %jit3A, %sign3A_14 : i32
    %sign3A_16 = arith.extui %sign3A_15 : i1 to i32
    %sign3A_17 = arith.constant 0 : i32
    %sign3A_18 = arith.cmpi slt, %jit3A, %sign3A_17 : i32
    %sign3A_19 = arith.extui %sign3A_18 : i1 to i32
    %sign3A_20 = arith.subi %sign3A_16, %sign3A_19 : i32
    %ne3A = arith.cmpi ne, %sign3A_13, %sign3A_20 : i32
    %rem3A = arith.remsi %sub3A_7, %jit3A : i32
    %ne3A_21 = arith.constant 0 : i32
    %ne3A_22 = arith.cmpi ne, %rem3A, %ne3A_21 : i32
    %and3A = arith.andi %ne3A, %ne3A_22 : i1
    %sub3A_23 = arith.constant 1 : i32
    %sub3A_24 = arith.subi %div3A, %sub3A_23 : i32
    %select_n3A = arith.select %and3A, %sub3A_24, %div3A : i32
    %while3A = arith.constant 0 : i32
    %while3A_25 = arith.constant 0 : i32
    %while3A_26 = arith.subi %select_n3A, %while3A_25 : i32
    %while3A_27 = arith.addi %while3A_25, %while3A_26 : i32
    %while3A_28 = arith.constant 1 : i32
    %while3A_29 = arith.divsi %while3A_26, %while3A_28 : i32
    %while3A_30 = arith.muli %while3A_29, %while3A_28 : i32
    %while3A_31 = arith.addi %while3A_25, %while3A_30 : i32
    %while3A_32 = arith.constant 1 : i32
    scf.for %while3A_34 = %while3A_25 to %while3A_31 step %while3A_32  : i32 {
      %mul3A = arith.constant 64 : i32
      %mul3A_35 = arith.muli %while3A_34, %mul3A : i32
      %add3A_36 = arith.addi %get3A_0, %mul3A_35 : i32
      %multiple_of3A = tpu.assume_multiple %add3A_36, 8 : i32
      %get3A_37 = arith.index_cast %multiple_of3A : i32 to index
      %get3A_38 = arith.constant 0 : index
      %get3A_39 = vector.load %arg2[%get3A_37, %get3A_38] : memref<2560x1024xf32, #tpu.memory_space<vmem>>, vector<64x1024xf32>
      %get3A_40 = arith.constant 0 : index
      %get3A_41 = arith.constant 0 : index
      %get3A_42 = arith.constant 0 : index
      %get3A_43 = vector.load %arg4[%get3A_40, %get3A_41, %get3A_42] : memref<1x256x1024xf32, #tpu.memory_space<vmem>>, vector<1x256x1024xf32>
      %get3A_44 = vector.shape_cast %get3A_43 : vector<1x256x1024xf32> to vector<256x1024xf32>
      %dot_general3A = arith.constant dense<0.000000e+00> : vector<64x256xf32>
      %dot_general3A_45 = tpu.matmul %get3A_39, %get3A_44, %dot_general3A {dimension_numbers = #tpu.dot_dimension_numbers<[1], [1], [0], [0], [0, 0, 1, 0], [], []>, transpose_lhs_hint = false} : vector<64x1024xf32>, vector<256x1024xf32>, vector<64x256xf32> -> vector<64x256xf32>
      %get3A_46 = arith.constant 0 : index
      %get3A_47 = arith.constant 0 : index
      %get3A_48 = arith.constant 0 : index
      %get3A_49 = vector.load %arg5[%get3A_46, %get3A_47, %get3A_48] : memref<1x256x1024xf32, #tpu.memory_space<vmem>>, vector<1x256x1024xf32>
      %get3A_50 = vector.shape_cast %get3A_49 : vector<1x256x1024xf32> to vector<256x1024xf32>
      %dot_general3A_51 = arith.constant dense<0.000000e+00> : vector<64x256xf32>
      %dot_general3A_52 = tpu.matmul %get3A_39, %get3A_50, %dot_general3A_51 {dimension_numbers = #tpu.dot_dimension_numbers<[1], [1], [0], [0], [0, 0, 1, 0], [], []>, transpose_lhs_hint = false} : vector<64x1024xf32>, vector<256x1024xf32>, vector<64x256xf32> -> vector<64x256xf32>
      %get3A_53 = arith.constant 0 : index
      %get3A_54 = arith.constant 0 : index
      %get3A_55 = arith.constant 0 : index
      %get3A_56 = vector.load %arg6[%get3A_53, %get3A_54, %get3A_55] : memref<1x256x1024xf32, #tpu.memory_space<vmem>>, vector<1x256x1024xf32>
      %get3A_57 = vector.shape_cast %get3A_56 : vector<1x256x1024xf32> to vector<256x1024xf32>
      %dot_general3A_58 = arith.constant dense<0.000000e+00> : vector<64x256xf32>
      %dot_general3A_59 = tpu.matmul %get3A_39, %get3A_57, %dot_general3A_58 {dimension_numbers = #tpu.dot_dimension_numbers<[1], [1], [0], [0], [0, 0, 1, 0], [], []>, transpose_lhs_hint = false} : vector<64x1024xf32>, vector<256x1024xf32>, vector<64x256xf32> -> vector<64x256xf32>
      %get3A_60 = arith.constant 0 : index
      %get3A_61 = arith.constant 0 : index
      %get3A_62 = arith.constant 0 : index
      %get3A_63 = vector.load %arg7[%get3A_60, %get3A_61, %get3A_62] : memref<1x256x1024xf32, #tpu.memory_space<vmem>>, vector<1x256x1024xf32>
      %get3A_64 = vector.shape_cast %get3A_63 : vector<1x256x1024xf32> to vector<256x1024xf32>
      %dot_general3A_65 = arith.constant dense<0.000000e+00> : vector<64x256xf32>
      %dot_general3A_66 = tpu.matmul %get3A_39, %get3A_64, %dot_general3A_65 {dimension_numbers = #tpu.dot_dimension_numbers<[1], [1], [0], [0], [0, 0, 1, 0], [], []>, transpose_lhs_hint = false} : vector<64x1024xf32>, vector<256x1024xf32>, vector<64x256xf32> -> vector<64x256xf32>
      %concatenate3A = tpu.concatenate %dot_general3A_45, %dot_general3A_52, %dot_general3A_59, %dot_general3A_66 in 1 : vector<64x256xf32>, vector<64x256xf32>, vector<64x256xf32>, vector<64x256xf32> -> vector<64x1024xf32>
      %get3A_67 = arith.constant 0 : index
      %get3A_68 = arith.constant 0 : index
      %get3A_69 = arith.constant 0 : index
      %get3A_70 = vector.load %arg8[%get3A_67, %get3A_68, %get3A_69] : memref<1x256x1024xf32, #tpu.memory_space<vmem>>, vector<1x256x1024xf32>
      %get3A_71 = vector.shape_cast %get3A_70 : vector<1x256x1024xf32> to vector<256x1024xf32>
      %dot_general3A_72 = arith.constant dense<0.000000e+00> : vector<64x256xf32>
      %dot_general3A_73 = tpu.matmul %get3A_39, %get3A_71, %dot_general3A_72 {dimension_numbers = #tpu.dot_dimension_numbers<[1], [1], [0], [0], [0, 0, 1, 0], [], []>, transpose_lhs_hint = false} : vector<64x1024xf32>, vector<256x1024xf32>, vector<64x256xf32> -> vector<64x256xf32>
      %get3A_74 = arith.constant 0 : index
      %get3A_75 = arith.constant 0 : index
      %get3A_76 = arith.constant 0 : index
      %get3A_77 = vector.load %arg9[%get3A_74, %get3A_75, %get3A_76] : memref<1x256x1024xf32, #tpu.memory_space<vmem>>, vector<1x256x1024xf32>
      %get3A_78 = vector.shape_cast %get3A_77 : vector<1x256x1024xf32> to vector<256x1024xf32>
      %dot_general3A_79 = arith.constant dense<0.000000e+00> : vector<64x256xf32>
      %dot_general3A_80 = tpu.matmul %get3A_39, %get3A_78, %dot_general3A_79 {dimension_numbers = #tpu.dot_dimension_numbers<[1], [1], [0], [0], [0, 0, 1, 0], [], []>, transpose_lhs_hint = false} : vector<64x1024xf32>, vector<256x1024xf32>, vector<64x256xf32> -> vector<64x256xf32>
      %get3A_81 = arith.constant 0 : index
      %get3A_82 = arith.constant 0 : index
      %get3A_83 = arith.constant 0 : index
      %get3A_84 = vector.load %arg10[%get3A_81, %get3A_82, %get3A_83] : memref<1x256x1024xf32, #tpu.memory_space<vmem>>, vector<1x256x1024xf32>
      %get3A_85 = vector.shape_cast %get3A_84 : vector<1x256x1024xf32> to vector<256x1024xf32>
      %dot_general3A_86 = arith.constant dense<0.000000e+00> : vector<64x256xf32>
      %dot_general3A_87 = tpu.matmul %get3A_39, %get3A_85, %dot_general3A_86 {dimension_numbers = #tpu.dot_dimension_numbers<[1], [1], [0], [0], [0, 0, 1, 0], [], []>, transpose_lhs_hint = false} : vector<64x1024xf32>, vector<256x1024xf32>, vector<64x256xf32> -> vector<64x256xf32>
      %get3A_88 = arith.constant 0 : index
      %get3A_89 = arith.constant 0 : index
      %get3A_90 = arith.constant 0 : index
      %get3A_91 = vector.load %arg11[%get3A_88, %get3A_89, %get3A_90] : memref<1x256x1024xf32, #tpu.memory_space<vmem>>, vector<1x256x1024xf32>
      %get3A_92 = vector.shape_cast %get3A_91 : vector<1x256x1024xf32> to vector<256x1024xf32>
      %dot_general3A_93 = arith.constant dense<0.000000e+00> : vector<64x256xf32>
      %dot_general3A_94 = tpu.matmul %get3A_39, %get3A_92, %dot_general3A_93 {dimension_numbers = #tpu.dot_dimension_numbers<[1], [1], [0], [0], [0, 0, 1, 0], [], []>, transpose_lhs_hint = false} : vector<64x1024xf32>, vector<256x1024xf32>, vector<64x256xf32> -> vector<64x256xf32>
      %concatenate3A_95 = tpu.concatenate %dot_general3A_73, %dot_general3A_80, %dot_general3A_87, %dot_general3A_94 in 1 : vector<64x256xf32>, vector<64x256xf32>, vector<64x256xf32>, vector<64x256xf32> -> vector<64x1024xf32>
      %mul3A_96 = arith.constant 5.000000e-01 : f32
      %mul3A_97 = vector.broadcast %mul3A_96 : f32 to vector<64x1024xf32>
      %mul3A_98 = arith.mulf %mul3A_97, %concatenate3A : vector<64x1024xf32>
      %sqrt3A = arith.constant 0.636619746 : f32
      %sqrt3A_99 = math.sqrt %sqrt3A : f32
      %integer_pow3A = arith.mulf %concatenate3A, %concatenate3A : vector<64x1024xf32>
      %integer_pow3A_100 = arith.mulf %concatenate3A, %integer_pow3A : vector<64x1024xf32>
      %mul3A_101 = arith.constant 4.471500e-02 : f32
      %mul3A_102 = vector.broadcast %mul3A_101 : f32 to vector<64x1024xf32>
      %mul3A_103 = arith.mulf %mul3A_102, %integer_pow3A_100 : vector<64x1024xf32>
      %add3A_104 = arith.addf %concatenate3A, %mul3A_103 : vector<64x1024xf32>
      %mul3A_105 = vector.broadcast %sqrt3A_99 : f32 to vector<64x1024xf32>
      %mul3A_106 = arith.mulf %mul3A_105, %add3A_104 : vector<64x1024xf32>
      %tanh3A = math.tanh %mul3A_106 : vector<64x1024xf32>
      %add3A_107 = arith.constant 1.000000e+00 : f32
      %add3A_108 = vector.broadcast %add3A_107 : f32 to vector<64x1024xf32>
      %add3A_109 = arith.addf %add3A_108, %tanh3A : vector<64x1024xf32>
      %mul3A_110 = arith.mulf %mul3A_98, %add3A_109 : vector<64x1024xf32>
      %mul3A_111 = arith.mulf %mul3A_110, %concatenate3A_95 : vector<64x1024xf32>
      %get3A_112 = arith.constant 0 : index
      %get3A_113 = arith.constant 0 : index
      %get3A_114 = arith.constant 0 : index
      %get3A_115 = vector.load %arg12[%get3A_112, %get3A_113, %get3A_114] : memref<1x256x1024xf32, #tpu.memory_space<vmem>>, vector<1x256x1024xf32>
      %get3A_116 = vector.shape_cast %get3A_115 : vector<1x256x1024xf32> to vector<256x1024xf32>
      %dot_general3A_117 = arith.constant dense<0.000000e+00> : vector<64x256xf32>
      %dot_general3A_118 = tpu.matmul %mul3A_111, %get3A_116, %dot_general3A_117 {dimension_numbers = #tpu.dot_dimension_numbers<[1], [1], [0], [0], [0, 0, 1, 0], [], []>, transpose_lhs_hint = false} : vector<64x1024xf32>, vector<256x1024xf32>, vector<64x256xf32> -> vector<64x256xf32>
      %get3A_119 = arith.constant 0 : index
      %get3A_120 = arith.constant 0 : index
      %get3A_121 = arith.constant 0 : index
      %get3A_122 = vector.load %arg13[%get3A_119, %get3A_120, %get3A_121] : memref<1x256x1024xf32, #tpu.memory_space<vmem>>, vector<1x256x1024xf32>
      %get3A_123 = vector.shape_cast %get3A_122 : vector<1x256x1024xf32> to vector<256x1024xf32>
      %dot_general3A_124 = arith.constant dense<0.000000e+00> : vector<64x256xf32>
      %dot_general3A_125 = tpu.matmul %mul3A_111, %get3A_123, %dot_general3A_124 {dimension_numbers = #tpu.dot_dimension_numbers<[1], [1], [0], [0], [0, 0, 1, 0], [], []>, transpose_lhs_hint = false} : vector<64x1024xf32>, vector<256x1024xf32>, vector<64x256xf32> -> vector<64x256xf32>
      %get3A_126 = arith.constant 0 : index
      %get3A_127 = arith.constant 0 : index
      %get3A_128 = arith.constant 0 : index
      %get3A_129 = vector.load %arg14[%get3A_126, %get3A_127, %get3A_128] : memref<1x256x1024xf32, #tpu.memory_space<vmem>>, vector<1x256x1024xf32>
      %get3A_130 = vector.shape_cast %get3A_129 : vector<1x256x1024xf32> to vector<256x1024xf32>
      %dot_general3A_131 = arith.constant dense<0.000000e+00> : vector<64x256xf32>
      %dot_general3A_132 = tpu.matmul %mul3A_111, %get3A_130, %dot_general3A_131 {dimension_numbers = #tpu.dot_dimension_numbers<[1], [1], [0], [0], [0, 0, 1, 0], [], []>, transpose_lhs_hint = false} : vector<64x1024xf32>, vector<256x1024xf32>, vector<64x256xf32> -> vector<64x256xf32>
      %get3A_133 = arith.constant 0 : index
      %get3A_134 = arith.constant 0 : index
      %get3A_135 = arith.constant 0 : index
      %get3A_136 = vector.load %arg15[%get3A_133, %get3A_134, %get3A_135] : memref<1x256x1024xf32, #tpu.memory_space<vmem>>, vector<1x256x1024xf32>
      %get3A_137 = vector.shape_cast %get3A_136 : vector<1x256x1024xf32> to vector<256x1024xf32>
      %dot_general3A_138 = arith.constant dense<0.000000e+00> : vector<64x256xf32>
      %dot_general3A_139 = tpu.matmul %mul3A_111, %get3A_137, %dot_general3A_138 {dimension_numbers = #tpu.dot_dimension_numbers<[1], [1], [0], [0], [0, 0, 1, 0], [], []>, transpose_lhs_hint = false} : vector<64x1024xf32>, vector<256x1024xf32>, vector<64x256xf32> -> vector<64x256xf32>
      %concatenate3A_140 = tpu.concatenate %dot_general3A_118, %dot_general3A_125, %dot_general3A_132, %dot_general3A_139 in 1 : vector<64x256xf32>, vector<64x256xf32>, vector<64x256xf32>, vector<64x256xf32> -> vector<64x1024xf32>
      %get3A_141 = arith.index_cast %multiple_of3A : i32 to index
      %get3A_142 = arith.constant 0 : index
      %get3A_143 = vector.load %arg3[%get3A_141, %get3A_142] : memref<2560x1xf32, #tpu.memory_space<vmem>>, vector<64x1xf32>
      %mul3A_144 = vector.broadcast %get3A_143 : vector<64x1xf32> to vector<64x1024xf32>
      %mul3A_145 = arith.mulf %concatenate3A_140, %mul3A_144 : vector<64x1024xf32>
      %swap3A = arith.index_cast %multiple_of3A : i32 to index
      %swap3A_146 = arith.constant 0 : index
      %swap3A_147 = vector.load %arg16[%swap3A, %swap3A_146] : memref<2560x1024xf32, #tpu.memory_space<vmem>>, vector<64x1024xf32>
      tpu.vector_store %arg16[%swap3A, %swap3A_146], %mul3A_145 {strides = array<i32>} : memref<2560x1024xf32, #tpu.memory_space<vmem>>, vector<64x1024xf32>,
    }
    %while3A_33 = arith.constant 1 : i32
    scf.for %while3A_34 = %while3A_31 to %while3A_27 step %while3A_33  : i32 {
      %mul3A = arith.constant 64 : i32
      %mul3A_35 = arith.muli %while3A_34, %mul3A : i32
      %add3A_36 = arith.addi %get3A_0, %mul3A_35 : i32
      %multiple_of3A = tpu.assume_multiple %add3A_36, 8 : i32
      %get3A_37 = arith.index_cast %multiple_of3A : i32 to index
      %get3A_38 = arith.constant 0 : index
      %get3A_39 = vector.load %arg2[%get3A_37, %get3A_38] : memref<2560x1024xf32, #tpu.memory_space<vmem>>, vector<64x1024xf32>
      %get3A_40 = arith.constant 0 : index
      %get3A_41 = arith.constant 0 : index
      %get3A_42 = arith.constant 0 : index
      %get3A_43 = vector.load %arg4[%get3A_40, %get3A_41, %get3A_42] : memref<1x256x1024xf32, #tpu.memory_space<vmem>>, vector<1x256x1024xf32>
      %get3A_44 = vector.shape_cast %get3A_43 : vector<1x256x1024xf32> to vector<256x1024xf32>
      %dot_general3A = arith.constant dense<0.000000e+00> : vector<64x256xf32>
      %dot_general3A_45 = tpu.matmul %get3A_39, %get3A_44, %dot_general3A {dimension_numbers = #tpu.dot_dimension_numbers<[1], [1], [0], [0], [0, 0, 1, 0], [], []>, transpose_lhs_hint = false} : vector<64x1024xf32>, vector<256x1024xf32>, vector<64x256xf32> -> vector<64x256xf32>
      %get3A_46 = arith.constant 0 : index
      %get3A_47 = arith.constant 0 : index
      %get3A_48 = arith.constant 0 : index
      %get3A_49 = vector.load %arg5[%get3A_46, %get3A_47, %get3A_48] : memref<1x256x1024xf32, #tpu.memory_space<vmem>>, vector<1x256x1024xf32>
      %get3A_50 = vector.shape_cast %get3A_49 : vector<1x256x1024xf32> to vector<256x1024xf32>
      %dot_general3A_51 = arith.constant dense<0.000000e+00> : vector<64x256xf32>
      %dot_general3A_52 = tpu.matmul %get3A_39, %get3A_50, %dot_general3A_51 {dimension_numbers = #tpu.dot_dimension_numbers<[1], [1], [0], [0], [0, 0, 1, 0], [], []>, transpose_lhs_hint = false} : vector<64x1024xf32>, vector<256x1024xf32>, vector<64x256xf32> -> vector<64x256xf32>
      %get3A_53 = arith.constant 0 : index
      %get3A_54 = arith.constant 0 : index
      %get3A_55 = arith.constant 0 : index
      %get3A_56 = vector.load %arg6[%get3A_53, %get3A_54, %get3A_55] : memref<1x256x1024xf32, #tpu.memory_space<vmem>>, vector<1x256x1024xf32>
      %get3A_57 = vector.shape_cast %get3A_56 : vector<1x256x1024xf32> to vector<256x1024xf32>
      %dot_general3A_58 = arith.constant dense<0.000000e+00> : vector<64x256xf32>
      %dot_general3A_59 = tpu.matmul %get3A_39, %get3A_57, %dot_general3A_58 {dimension_numbers = #tpu.dot_dimension_numbers<[1], [1], [0], [0], [0, 0, 1, 0], [], []>, transpose_lhs_hint = false} : vector<64x1024xf32>, vector<256x1024xf32>, vector<64x256xf32> -> vector<64x256xf32>
      %get3A_60 = arith.constant 0 : index
      %get3A_61 = arith.constant 0 : index
      %get3A_62 = arith.constant 0 : index
      %get3A_63 = vector.load %arg7[%get3A_60, %get3A_61, %get3A_62] : memref<1x256x1024xf32, #tpu.memory_space<vmem>>, vector<1x256x1024xf32>
      %get3A_64 = vector.shape_cast %get3A_63 : vector<1x256x1024xf32> to vector<256x1024xf32>
      %dot_general3A_65 = arith.constant dense<0.000000e+00> : vector<64x256xf32>
      %dot_general3A_66 = tpu.matmul %get3A_39, %get3A_64, %dot_general3A_65 {dimension_numbers = #tpu.dot_dimension_numbers<[1], [1], [0], [0], [0, 0, 1, 0], [], []>, transpose_lhs_hint = false} : vector<64x1024xf32>, vector<256x1024xf32>, vector<64x256xf32> -> vector<64x256xf32>
      %concatenate3A = tpu.concatenate %dot_general3A_45, %dot_general3A_52, %dot_general3A_59, %dot_general3A_66 in 1 : vector<64x256xf32>, vector<64x256xf32>, vector<64x256xf32>, vector<64x256xf32> -> vector<64x1024xf32>
      %get3A_67 = arith.constant 0 : index
      %get3A_68 = arith.constant 0 : index
      %get3A_69 = arith.constant 0 : index
      %get3A_70 = vector.load %arg8[%get3A_67, %get3A_68, %get3A_69] : memref<1x256x1024xf32, #tpu.memory_space<vmem>>, vector<1x256x1024xf32>
      %get3A_71 = vector.shape_cast %get3A_70 : vector<1x256x1024xf32> to vector<256x1024xf32>
      %dot_general3A_72 = arith.constant dense<0.000000e+00> : vector<64x256xf32>
      %dot_general3A_73 = tpu.matmul %get3A_39, %get3A_71, %dot_general3A_72 {dimension_numbers = #tpu.dot_dimension_numbers<[1], [1], [0], [0], [0, 0, 1, 0], [], []>, transpose_lhs_hint = false} : vector<64x1024xf32>, vector<256x1024xf32>, vector<64x256xf32> -> vector<64x256xf32>
      %get3A_74 = arith.constant 0 : index
      %get3A_75 = arith.constant 0 : index
      %get3A_76 = arith.constant 0 : index
      %get3A_77 = vector.load %arg9[%get3A_74, %get3A_75, %get3A_76] : memref<1x256x1024xf32, #tpu.memory_space<vmem>>, vector<1x256x1024xf32>
      %get3A_78 = vector.shape_cast %get3A_77 : vector<1x256x1024xf32> to vector<256x1024xf32>
      %dot_general3A_79 = arith.constant dense<0.000000e+00> : vector<64x256xf32>
      %dot_general3A_80 = tpu.matmul %get3A_39, %get3A_78, %dot_general3A_79 {dimension_numbers = #tpu.dot_dimension_numbers<[1], [1], [0], [0], [0, 0, 1, 0], [], []>, transpose_lhs_hint = false} : vector<64x1024xf32>, vector<256x1024xf32>, vector<64x256xf32> -> vector<64x256xf32>
      %get3A_81 = arith.constant 0 : index
      %get3A_82 = arith.constant 0 : index
      %get3A_83 = arith.constant 0 : index
      %get3A_84 = vector.load %arg10[%get3A_81, %get3A_82, %get3A_83] : memref<1x256x1024xf32, #tpu.memory_space<vmem>>, vector<1x256x1024xf32>
      %get3A_85 = vector.shape_cast %get3A_84 : vector<1x256x1024xf32> to vector<256x1024xf32>
      %dot_general3A_86 = arith.constant dense<0.000000e+00> : vector<64x256xf32>
      %dot_general3A_87 = tpu.matmul %get3A_39, %get3A_85, %dot_general3A_86 {dimension_numbers = #tpu.dot_dimension_numbers<[1], [1], [0], [0], [0, 0, 1, 0], [], []>, transpose_lhs_hint = false} : vector<64x1024xf32>, vector<256x1024xf32>, vector<64x256xf32> -> vector<64x256xf32>
      %get3A_88 = arith.constant 0 : index
      %get3A_89 = arith.constant 0 : index
      %get3A_90 = arith.constant 0 : index
      %get3A_91 = vector.load %arg11[%get3A_88, %get3A_89, %get3A_90] : memref<1x256x1024xf32, #tpu.memory_space<vmem>>, vector<1x256x1024xf32>
      %get3A_92 = vector.shape_cast %get3A_91 : vector<1x256x1024xf32> to vector<256x1024xf32>
      %dot_general3A_93 = arith.constant dense<0.000000e+00> : vector<64x256xf32>
      %dot_general3A_94 = tpu.matmul %get3A_39, %get3A_92, %dot_general3A_93 {dimension_numbers = #tpu.dot_dimension_numbers<[1], [1], [0], [0], [0, 0, 1, 0], [], []>, transpose_lhs_hint = false} : vector<64x1024xf32>, vector<256x1024xf32>, vector<64x256xf32> -> vector<64x256xf32>
      %concatenate3A_95 = tpu.concatenate %dot_general3A_73, %dot_general3A_80, %dot_general3A_87, %dot_general3A_94 in 1 : vector<64x256xf32>, vector<64x256xf32>, vector<64x256xf32>, vector<64x256xf32> -> vector<64x1024xf32>
      %mul3A_96 = arith.constant 5.000000e-01 : f32
      %mul3A_97 = vector.broadcast %mul3A_96 : f32 to vector<64x1024xf32>
      %mul3A_98 = arith.mulf %mul3A_97, %concatenate3A : vector<64x1024xf32>
      %sqrt3A = arith.constant 0.636619746 : f32
      %sqrt3A_99 = math.sqrt %sqrt3A : f32
      %integer_pow3A = arith.mulf %concatenate3A, %concatenate3A : vector<64x1024xf32>
      %integer_pow3A_100 = arith.mulf %concatenate3A, %integer_pow3A : vector<64x1024xf32>
      %mul3A_101 = arith.constant 4.471500e-02 : f32
      %mul3A_102 = vector.broadcast %mul3A_101 : f32 to vector<64x1024xf32>
      %mul3A_103 = arith.mulf %mul3A_102, %integer_pow3A_100 : vector<64x1024xf32>
      %add3A_104 = arith.addf %concatenate3A, %mul3A_103 : vector<64x1024xf32>
      %mul3A_105 = vector.broadcast %sqrt3A_99 : f32 to vector<64x1024xf32>
      %mul3A_106 = arith.mulf %mul3A_105, %add3A_104 : vector<64x1024xf32>
      %tanh3A = math.tanh %mul3A_106 : vector<64x1024xf32>
      %add3A_107 = arith.constant 1.000000e+00 : f32
      %add3A_108 = vector.broadcast %add3A_107 : f32 to vector<64x1024xf32>
      %add3A_109 = arith.addf %add3A_108, %tanh3A : vector<64x1024xf32>
      %mul3A_110 = arith.mulf %mul3A_98, %add3A_109 : vector<64x1024xf32>
      %mul3A_111 = arith.mulf %mul3A_110, %concatenate3A_95 : vector<64x1024xf32>
      %get3A_112 = arith.constant 0 : index
      %get3A_113 = arith.constant 0 : index
      %get3A_114 = arith.constant 0 : index
      %get3A_115 = vector.load %arg12[%get3A_112, %get3A_113, %get3A_114] : memref<1x256x1024xf32, #tpu.memory_space<vmem>>, vector<1x256x1024xf32>
      %get3A_116 = vector.shape_cast %get3A_115 : vector<1x256x1024xf32> to vector<256x1024xf32>
      %dot_general3A_117 = arith.constant dense<0.000000e+00> : vector<64x256xf32>
      %dot_general3A_118 = tpu.matmul %mul3A_111, %get3A_116, %dot_general3A_117 {dimension_numbers = #tpu.dot_dimension_numbers<[1], [1], [0], [0], [0, 0, 1, 0], [], []>, transpose_lhs_hint = false} : vector<64x1024xf32>, vector<256x1024xf32>, vector<64x256xf32> -> vector<64x256xf32>
      %get3A_119 = arith.constant 0 : index
      %get3A_120 = arith.constant 0 : index
      %get3A_121 = arith.constant 0 : index
      %get3A_122 = vector.load %arg13[%get3A_119, %get3A_120, %get3A_121] : memref<1x256x1024xf32, #tpu.memory_space<vmem>>, vector<1x256x1024xf32>
      %get3A_123 = vector.shape_cast %get3A_122 : vector<1x256x1024xf32> to vector<256x1024xf32>
      %dot_general3A_124 = arith.constant dense<0.000000e+00> : vector<64x256xf32>
      %dot_general3A_125 = tpu.matmul %mul3A_111, %get3A_123, %dot_general3A_124 {dimension_numbers = #tpu.dot_dimension_numbers<[1], [1], [0], [0], [0, 0, 1, 0], [], []>, transpose_lhs_hint = false} : vector<64x1024xf32>, vector<256x1024xf32>, vector<64x256xf32> -> vector<64x256xf32>
      %get3A_126 = arith.constant 0 : index
      %get3A_127 = arith.constant 0 : index
      %get3A_128 = arith.constant 0 : index
      %get3A_129 = vector.load %arg14[%get3A_126, %get3A_127, %get3A_128] : memref<1x256x1024xf32, #tpu.memory_space<vmem>>, vector<1x256x1024xf32>
      %get3A_130 = vector.shape_cast %get3A_129 : vector<1x256x1024xf32> to vector<256x1024xf32>
      %dot_general3A_131 = arith.constant dense<0.000000e+00> : vector<64x256xf32>
      %dot_general3A_132 = tpu.matmul %mul3A_111, %get3A_130, %dot_general3A_131 {dimension_numbers = #tpu.dot_dimension_numbers<[1], [1], [0], [0], [0, 0, 1, 0], [], []>, transpose_lhs_hint = false} : vector<64x1024xf32>, vector<256x1024xf32>, vector<64x256xf32> -> vector<64x256xf32>
      %get3A_133 = arith.constant 0 : index
      %get3A_134 = arith.constant 0 : index
      %get3A_135 = arith.constant 0 : index
      %get3A_136 = vector.load %arg15[%get3A_133, %get3A_134, %get3A_135] : memref<1x256x1024xf32, #tpu.memory_space<vmem>>, vector<1x256x1024xf32>
      %get3A_137 = vector.shape_cast %get3A_136 : vector<1x256x1024xf32> to vector<256x1024xf32>
      %dot_general3A_138 = arith.constant dense<0.000000e+00> : vector<64x256xf32>
      %dot_general3A_139 = tpu.matmul %mul3A_111, %get3A_137, %dot_general3A_138 {dimension_numbers = #tpu.dot_dimension_numbers<[1], [1], [0], [0], [0, 0, 1, 0], [], []>, transpose_lhs_hint = false} : vector<64x1024xf32>, vector<256x1024xf32>, vector<64x256xf32> -> vector<64x256xf32>
      %concatenate3A_140 = tpu.concatenate %dot_general3A_118, %dot_general3A_125, %dot_general3A_132, %dot_general3A_139 in 1 : vector<64x256xf32>, vector<64x256xf32>, vector<64x256xf32>, vector<64x256xf32> -> vector<64x1024xf32>
      %get3A_141 = arith.index_cast %multiple_of3A : i32 to index
      %get3A_142 = arith.constant 0 : index
      %get3A_143 = vector.load %arg3[%get3A_141, %get3A_142] : memref<2560x1xf32, #tpu.memory_space<vmem>>, vector<64x1xf32>
      %mul3A_144 = vector.broadcast %get3A_143 : vector<64x1xf32> to vector<64x1024xf32>
      %mul3A_145 = arith.mulf %concatenate3A_140, %mul3A_144 : vector<64x1024xf32>
      %swap3A = arith.index_cast %multiple_of3A : i32 to index
      %swap3A_146 = arith.constant 0 : index
      %swap3A_147 = vector.load %arg16[%swap3A, %swap3A_146] : memref<2560x1024xf32, #tpu.memory_space<vmem>>, vector<64x1024xf32>
      tpu.vector_store %arg16[%swap3A, %swap3A_146], %mul3A_145 {strides = array<i32>} : memref<2560x1024xf32, #tpu.memory_space<vmem>>, vector<64x1024xf32>,
    }
    return
  }
  func.func @transform_0(%arg0: i32) -> i32 {
    %c0_i32 = arith.constant 0 : i32
    %c0_i32_0 = arith.constant 0 : i32
    return %c0_i32 : i32
  }
  func.func @transform_1(%arg0: i32) -> (i32, i32) {
    %c0_i32 = arith.constant 0 : i32
    %c0_i32_0 = arith.constant 0 : i32
    %c0_i32_1 = arith.constant 0 : i32
    return %c0_i32, %c0_i32_0 : i32, i32
  }
  func.func @transform_2(%arg0: i32) -> (i32, i32) {
    %c0_i32 = arith.constant 0 : i32
    %c0_i32_0 = arith.constant 0 : i32
    %c0_i32_1 = arith.constant 0 : i32
    return %c0_i32, %c0_i32_0 : i32, i32
  }
  func.func @transform_3(%arg0: i32) -> (i32, i32, i32) {
    %c0_i32 = arith.constant 0 : i32
    %c0_i32_0 = arith.constant 0 : i32
    %c0_i32_1 = arith.constant 0 : i32
    return %arg0, %c0_i32, %c0_i32_0 : i32, i32, i32
  }
  func.func @transform_4(%arg0: i32) -> (i32, i32, i32) {
    %c1_i32 = arith.constant 1 : i32
    %c0_i32 = arith.constant 0 : i32
    %c0_i32_0 = arith.constant 0 : i32
    return %arg0, %c1_i32, %c0_i32 : i32, i32, i32
  }
  func.func @transform_5(%arg0: i32) -> (i32, i32, i32) {
    %c2_i32 = arith.constant 2 : i32
    %c0_i32 = arith.constant 0 : i32
    %c0_i32_0 = arith.constant 0 : i32
    return %arg0, %c2_i32, %c0_i32 : i32, i32, i32
  }
  func.func @transform_6(%arg0: i32) -> (i32, i32, i32) {
    %c3_i32 = arith.constant 3 : i32
    %c0_i32 = arith.constant 0 : i32
    %c0_i32_0 = arith.constant 0 : i32
    return %arg0, %c3_i32, %c0_i32 : i32, i32, i32
  }
  func.func @transform_7(%arg0: i32) -> (i32, i32, i32) {
    %c0_i32 = arith.constant 0 : i32
    %c0_i32_0 = arith.constant 0 : i32
    %c0_i32_1 = arith.constant 0 : i32
    return %arg0, %c0_i32, %c0_i32_0 : i32, i32, i32
  }
  func.func @transform_8(%arg0: i32) -> (i32, i32, i32) {
    %c1_i32 = arith.constant 1 : i32
    %c0_i32 = arith.constant 0 : i32
    %c0_i32_0 = arith.constant 0 : i32
    return %arg0, %c1_i32, %c0_i32 : i32, i32, i32
  }
  func.func @transform_9(%arg0: i32) -> (i32, i32, i32) {
    %c2_i32 = arith.constant 2 : i32
    %c0_i32 = arith.constant 0 : i32
    %c0_i32_0 = arith.constant 0 : i32
    return %arg0, %c2_i32, %c0_i32 : i32, i32, i32
  }
  func.func @transform_10(%arg0: i32) -> (i32, i32, i32) {
    %c3_i32 = arith.constant 3 : i32
    %c0_i32 = arith.constant 0 : i32
    %c0_i32_0 = arith.constant 0 : i32
    return %arg0, %c3_i32, %c0_i32 : i32, i32, i32
  }
  func.func @transform_11(%arg0: i32) -> (i32, i32, i32) {
    %c0_i32 = arith.constant 0 : i32
    %c0_i32_0 = arith.constant 0 : i32
    %c0_i32_1 = arith.constant 0 : i32
    return %arg0, %c0_i32, %c0_i32_0 : i32, i32, i32
  }
  func.func @transform_12(%arg0: i32) -> (i32, i32, i32) {
    %c1_i32 = arith.constant 1 : i32
    %c0_i32 = arith.constant 0 : i32
    %c0_i32_0 = arith.constant 0 : i32
    return %arg0, %c1_i32, %c0_i32 : i32, i32, i32
  }
  func.func @transform_13(%arg0: i32) -> (i32, i32, i32) {
    %c2_i32 = arith.constant 2 : i32
    %c0_i32 = arith.constant 0 : i32
    %c0_i32_0 = arith.constant 0 : i32
    return %arg0, %c2_i32, %c0_i32 : i32, i32, i32
  }
  func.func @transform_14(%arg0: i32) -> (i32, i32, i32) {
    %c3_i32 = arith.constant 3 : i32
    %c0_i32 = arith.constant 0 : i32
    %c0_i32_0 = arith.constant 0 : i32
    return %arg0, %c3_i32, %c0_i32 : i32, i32, i32
  }
  func.func @transform_15(%arg0: i32) -> (i32, i32) {
    %c0_i32 = arith.constant 0 : i32
    %c0_i32_0 = arith.constant 0 : i32
    %c0_i32_1 = arith.constant 0 : i32
    return %c0_i32, %c0_i32_0 : i32, i32
  }
}

</mosaic_0001>

<sc_bundles>
// kernel: kernel.5.cloned.1.call-start
scs
__scs_entry_jumppad:
0x0: {  	(pc) =	sbr.rel $0x88, $3  }
0x1: {  	(tag) =	ssettag $0x0;
	lr =	simm.s32 $0x1  }
0x2: {  	[smem:$0x3F9B] =	sst lr;
	_ =	strace $0xD0000000  }
0x3: {  	_ = 	snop  }
0x4: {  	_ = 	snop  }
0x5: {  	_ = 	snop  }
0x6: {  	_ = 	snop  }
0x7: {  	_ = 	snop  }
__scs_overlays_trampoline_lowered:
0x8: {  	[smem:$0x3FAA] =	sst s0  }
0x9: {  	[smem:$0x3FAB] =	sst s1  }
0xa: {  	[smem:$0x3FAC] =	sst s2  }
0xb: {  	[smem:$0x3FAD] =	sst s3  }
0xc: {  	[smem:$0x3FAE] =	sst s4  }
0xd: {  	[smem:$0x3FAF] =	sst s5  }
0xe: {  	[smem:$0x3FB0] =	sst s6  }
0xf: {  	[smem:$0x3FB1] =	sst s7  }
0x10: {  	[smem:$0x3FB2] =	sst s8  }
0x11: {  	[smem:$0x3FB3] =	sst s9;
	s0 =	simm.s32 @!p0 $0x0  }
0x12: {  	s1 =	sld [smem:$0x3F99];
	s0 =	simm.s32 @p0 $0x1  }
0x13: {  	[smem:$0x3FB4] =	sst s0;
	s0 =	simm.s32 @!p1 $0x0  }
0x14: {  	s2 =	sld [smem:$0x3F98];
	s0 =	simm.s32 @p1 $0x1  }
0x15: {  	[smem:$0x3FB5] =	sst s0;
	s0 =	simm.s32 @!p2 $0x0  }
0x16: {  	s3 =	sld [smem:$0x3FDB];
	s0 =	simm.s32 @p2 $0x1  }
0x17: {  	s4 =	simm.s32 $0x1BF5;
	[smem:$0x3FB7] =	sst s0  }
0x18: {  	s0 =	sld [smem:$0x3F9A];
	_ =	swait.ge [sflag:s4], $0x0  }
0x19: {  	s7 =	sld [smem:$0x3F9B]  }
0x1a: {  	s8 =	sadd.s32 $0xFFFFE003, lr  }
0x1b: {  	s9 =	sadd.s32 $0xFFFFFEF7, lr;
	s5 =	simm.s32 $0xFFFFFFFF;
	p2 =	slt.u32 s8, $0xFFFFF086  }
0x1c: {  	p1 =	slt.u32 s9, $0xF7A;
	s5 =	simm.s32 @!p2 $0x0  }
0x1d: {  	s5 =	simm.s32 @p1 $0x1;
	p0 =	seq.s32 s7, s2  }
0x1e: {  	s7 =	smul.u32 @!p0 $0xF7A, s2;
	p2 =	seq.s32 @!p0 s5, $0x0  }
0x1f: {  	s9 =	smul.u32 $0xF7A, s1;
	s8 =	simm.s32 @!p0 $0x1BF5;
	p2 =	por !p2, p0  }
0x20: {  	[sflag:s8] =	ssyncset.s32 @!p0 $0xFFFFF086;
	s6 =	sadd.s32 @!p0 s3, s7;
	s7 =	simm.s32 @!p0 $0x108  }
0x21: {  	s3 =	sadd.s32 s3, s9;
	s6 =	sadd.s32 @!p0 $0x88, s6;
	s7 =	simm.s32 @p2 $0x1082  }
0x22: {  	[simem:s7], [sflag:s8] =	dma.local @!p0 [hbm:s6], $0xF7A  }
0x23: {  	s9 =	sor.u32 $0xD0000000, s2;
	s6 =	simm.s32 $0x108;
	_ =	swait.ge @!p0 [sflag:s8], $0x0  }
0x24: {  	s3 =	sadd.s32 $0x88, s3;
	s6 =	simm.s32 @!p1 $0x1082;
	[sflag:s4] =	ssyncset.s32 $0xFFFFF086  }
0x25: {  	[simem:s6], [sflag:s4] =	dma.local [hbm:s3], $0xF7A  }
0x26: {  	[smem:$0x3F9B] =	sst s1;
	(tag) =	ssettag s2;
	_ =	strace s9  }
0x27: {  	s1 =	sld [smem:$0x3FAB]  }
0x28: {  	s2 =	sld [smem:$0x3FAC]  }
0x29: {  	s4 =	sld [smem:$0x3FAE]  }
0x2a: {  	p0 =	seq.s32 s5, $0x0;
	s5 =	sld [smem:$0x3FAF]  }
0x2b: {  	s6 =	sld [smem:$0x3FB0]  }
0x2c: {  	s7 =	sld [smem:$0x3FB1]  }
0x2d: {  	s3 =	simm.s32 $0x108;
	s8 =	sld [smem:$0x3FB2]  }
0x2e: {  	s3 =	simm.s32 @!p0 $0x1082;
	s9 =	sld [smem:$0x3FB3]  }
0x2f: {  	lr =	sadd.s32 s0, s3;
	s0 =	sld [smem:$0x3FAA]  }
0x30: {  	s3 =	sld [smem:$0x3FAD]  }
0x31: {  	[smem:$0x3FB6] =	sst s10  }
0x32: {  	s10 =	sld [smem:$0x3FB4];
	_ =	sdelay $0x3  }
0x33: {  	p0 =	seq.s32 s10, $0x1;
	s10 =	sld [smem:$0x3FB6];
	_ =	sdelay $0x3  }
0x34: {  	[smem:$0x3FB6] =	sst s10  }
0x35: {  	s10 =	sld [smem:$0x3FB5];
	_ =	sdelay $0x3  }
0x36: {  	p1 =	seq.s32 s10, $0x1;
	s10 =	sld [smem:$0x3FB6];
	_ =	sdelay $0x3  }
0x37: {  	[smem:$0x3FB6] =	sst s10  }
0x38: {  	s10 =	sld [smem:$0x3FB7]  }
0x39: {  	_ = 	snop;
	(pc) =	sbr.ind lr, $3  }
0x3a: {  	_ = 	snop  }
0x3b: {  	_ = 	snop  }
0x3c: {  	p2 =	seq.s32 s10, $0x1;
	s10 =	sld [smem:$0x3FB6]  }
0x3d: {  	_ =	shalt  }
0x3e: {  	_ =	shalt  }
0x3f: {  	_ =	shalt  }
0x40: {  	_ =	shalt  }
0x41: {  	_ =	shalt  }
0x42: {  	_ =	shalt  }
0x43: {  	_ =	shalt  }
0x44: {  	_ =	shalt  }
0x45: {  	_ =	shalt  }
0x46: {  	_ =	shalt  }
0x47: {  	_ =	shalt  }
0x48: {  	_ =	shalt  }
0x49: {  	_ =	shalt  }
0x4a: {  	_ =	shalt  }
0x4b: {  	_ =	shalt  }
0x4c: {  	_ =	shalt  }
0x4d: {  	_ =	shalt  }
0x4e: {  	_ =	shalt  }
0x4f: {  	_ =	shalt  }
0x50: {  	_ =	shalt  }
0x51: {  	_ =	shalt  }
0x52: {  	_ =	shalt  }
0x53: {  	_ =	shalt  }
0x54: {  	_ =	shalt  }
0x55: {  	_ =	shalt  }
0x56: {  	_ =	shalt  }
0x57: {  	_ =	shalt  }
0x58: {  	_ =	shalt  }
0x59: {  	_ =	shalt  }
0x5a: {  	_ =	shalt  }
0x5b: {  	_ =	shalt  }
0x5c: {  	_ =	shalt  }
0x5d: {  	_ =	shalt  }
0x5e: {  	_ =	shalt  }
0x5f: {  	_ =	shalt  }
0x60: {  	_ =	shalt  }
0x61: {  	_ =	shalt  }
0x62: {  	_ =	shalt  }
0x63: {  	_ =	shalt  }
0x64: {  	_ =	shalt  }
0x65: {  	_ =	shalt  }
0x66: {  	_ =	shalt  }
0x67: {  	_ =	shalt  }
0x68: {  	_ =	shalt  }
0x69: {  	_ =	shalt  }
0x6a: {  	_ =	shalt  }
0x6b: {  	_ =	shalt  }
0x6c: {  	_ =	shalt  }
0x6d: {  	_ =	shalt  }
0x6e: {  	_ =	shalt  }
0x6f: {  	_ =	shalt  }
0x70: {  	_ =	shalt  }
0x71: {  	_ =	shalt  }
0x72: {  	_ =	shalt  }
0x73: {  	_ =	shalt  }
0x74: {  	_ =	shalt  }
0x75: {  	_ =	shalt  }
0x76: {  	_ =	shalt  }
0x77: {  	_ =	shalt  }
0x78: {  	_ =	shalt  }
0x79: {  	_ =	shalt  }
0x7a: {  	_ =	shalt  }
0x7b: {  	_ =	shalt  }
0x7c: {  	_ =	shalt  }
0x7d: {  	_ =	shalt  }
0x7e: {  	_ =	shalt  }
0x7f: {  	_ =	shalt  }
0x80: {  	_ =	shalt  }
0x81: {  	_ =	shalt  }
0x82: {  	_ =	shalt  }
0x83: {  	_ =	shalt  }
0x84: {  	_ =	shalt  }
0x85: {  	_ =	shalt  }
0x86: {  	_ =	shalt  }
0x87: {  	_ =	shalt  }
.Lfunc_end0:
.L_simem_size_0:
called_computation_lowered:
.L_overlay_start_0:
0x88: {  	s2 =	sld [smem:$0x3FD9]  }
0x89: {  	s3 =	sld [smem:$0x3FFE];
	_ =	sdelay $0x1  }
0x8a: {  	s1 =	srdreg.scid  }
0x8b: {  	s0 =	sand.u32 $0x1, s1  }
0x8c: {  	s17 =	sshll.u32 s0, $0xA;
	s2 =	sadd.s32 s3, s2  }
0x8d: {  	s2 =	sadd.s32 s2, s17  }
0x8e: {  	[smem:$0x3FC2] =	sst s2  }
0x8f: {  	_ = 	snop  }
0x90: {  	s2 =	sld [smem:$0x3FC9];
	(tm) =	ssettm $0x1  }
0x91: {  	s18 =	sld [smem:$0x3FFB];
	_ =	sdelay $0x3  }
0x92: {  	_ =	strace s18  }
0x93: {  	s3 =	sld [smem:$0x3FFC];
	_ =	sdelay $0x3  }
0x94: {  	_ =	strace s3  }
0x95: {  	s3 =	sld [smem:$0x3FFD];
	_ =	sdelay $0x3  }
0x96: {  	_ =	strace s3  }
0x97: {  	_ =	strace $0x8FFFFFFF  }
0x98: {  	s19 =	sld [smem:$0x3FDB];
	_ =	sdelay $0x1  }
0x99: {  	s4 =	simm.s32 $_scs_section_size  }
0x9a: {  	s5 =	simm.s32 $_size__tile_overlayer_lowered;
	s6 =	simm.s32 $_tile_overlayer_lowered  }
0x9b: {  	s22 =	simm.s32 $0x1BFF;
	s21 =	sshll.u32 s6, $0x1;
	s3 =	sadd.s32 s4, s19  }
0x9c: {  	s7 =	simm.s32 $0x0;
	s20 =	sshll.u32 s5, $0x1;
	s5 =	sadd.s32 s21, s3  }
0x9d: {  	[timem:s7], [sflag:s22] =	dma.local [hbm:s5], s20  }
0x9e: {  	_ =	swait.ge [sflag:s22], s20  }
0x9f: {  	s4 =	ssub.s32 $0x0, s20;
	[sflag:s22] =	ssyncset.done $0x0  }
0xa0: {  	[sflag:s22] =	ssyncadd.s32 s4;
	_ =	sdelay $0x1  }
0xa1: {  	s23 =	simm.s32 $0x1B8B  }
0xa2: {  	_ =	swait.ge [sflag:s23], $0x1  }
0xa3: {  	[sflag:s23] =	ssyncset.done $0x0  }
0xa4: {  	s25 =	simm.s32 $0x1B8E;
	s24 =	sld [smem:$0x3FFE];
	[sflag:s23] =	ssyncadd.s32 $0xFFFFFFFF  }
0xa5: {  	s26 =	simm.s32 $execute0_lowered;
	[smem:$0x3FD2] =	sst s25  }
0xa6: {  	s5 =	sshll.u32 s26, $0x1;
	_ =	strace $0x80000046;
	[dreg:$0x1] =	wrdreg $0xFFFFFFFF  }
0xa7: {  	s28 =	simm.s32 $_size_execute0_lowered;
	s3 =	sadd.s32 s3, s5;
	[dreg:$0x0] =	wrdreg $0x0  }
0xa8: {  	s5 =	sshll.u32 s28, $0x1;
	[dreg:$0x2] =	wrdreg s3  }
0xa9: {  	[dreg:$0x3] =	wrdreg s5  }
0xaa: {  	[dreg:$0x4] =	wrdreg $0xC0  }
0xab: {  	_ =	task [dreg:s7], $0x5FFFF  }
0xac: {  	[dreg:$0x1] =	wrdreg $0xFFFFFFFF  }
0xad: {  	[dreg:$0x0] =	wrdreg $0x60  }
0xae: {  	[dreg:$0x2] =	wrdreg s2  }
0xaf: {  	[dreg:$0x3] =	wrdreg s24  }
0xb0: {  	[dreg:$0x4] =	wrdreg $0x9  }
0xb1: {  	_ =	task.clear_ibuf [dreg:s7], $0x5FFFF;
	_ =	strace $0x90000046  }
0xb2: {  	s29 =	simm.s32 $0x9;
	_ =	strace $0x80000048  }
0xb3: {  	_ =	swait.ge [sflag:s29], $0x1  }
0xb4: {  	[sflag:s29] =	ssyncadd.s32 $0xFFFFFFFF  }
0xb5: {  	_ =	strace $0x90000048  }
0xb6: {  	_ =	sfence  }
0xb7: {  	s30 =	sld [smem:$0x0];
	_ =	sdelay $0x2  }
0xb8: {  	s31 =	sshll.u32 s1, $0xD;
	s1 =	sshrl.u32 s1, $0x2  }
0xb9: {  	s3 =	sand.u32 $0x4000, s31;
	s1 =	sadd.s32 s1, s30  }
0xba: {  	s0 =	sor.u32 s3, s0;
	s1 =	sshll.u32 s1, $0x11  }
0xbb: {  	s0 =	sor.u32 s1, s0  }
0xbc: {  	s0 =	sadd.s32 $0x8F2B, s0  }
0xbd: {  	[sflag:s0] =	ssyncadd.remote.s32 $0x1  }
0xbe: {  	_ =	sfence.sel $0xFFFF  }
0xbf: {  	[dreg:$0x0] =	wrdreg $0xFFFFFFFF;
	(pc) =	sbr.abs _section_cstart, $3  }
0xc0: {  	[dreg:$0x1] =	wrdreg $0xFFFFFFFF  }
0xc1: {  	_ =	task.clear_ibuf [dreg:s7], $0x2FFFF;
	_ =	strace $0x9FFFFFFF  }
0xc2: {  	(tm) =	ssettm $0x7FFFFFFF  }
0xc3: {  	_ =	shalt  }
tec
execute0_lowered:
.L_overlay_start_1:
0x0: {  	(tag) =	ssettag $0x1  }
0x1: {  	s1 =	srdreg.scid;
	s3 =	rddreg [dreg:$0x0]  }
0x2: {  	s0 =	stileid.u32;
	s6 =	rddreg [dreg:$0x1];
	s2 =	simm.s32 $0x0  }
0x3: {  	s18 =	simm.s32 $0x880;
	s19 =	simm.s32 $0x1080;
	s20 =	simm.s32 $0x1880  }
0x4: {  	s22 =	simm.s32 $0x2080;
	s23 =	simm.s32 $0x2880;
	s7 =	simm.s32 $0x3080  }
0x5: {  	s24 =	simm.s32 $0x3880;
	s8 =	simm.s32 $0x4080;
	[smem:$0x7FF] =	sst s2  }
0x6: {  	s25 =	simm.s32 $0x4880;
	_ =	strace $0x80000047;
	[dreg:$0x5] =	wrdreg s18  }
0x7: {  	s26 =	simm.s32 $0x5080;
	s9 =	simm.s32 $0x80;
	[dreg:$0x6] =	wrdreg s19  }
0x8: {  	s11 =	simm.s32 $0x6080;
	s12 =	simm.s32 $0x6880;
	[dreg:$0x7] =	wrdreg s20  }
0x9: {  	s13 =	simm.s32 $0x7080;
	s14 =	simm.s32 $0x7880;
	[dreg:$0x8] =	wrdreg s22  }
0xa: {  	s15 =	simm.s32 $0x8080;
	s16 =	simm.s32 $0x8880;
	[dreg:$0x9] =	wrdreg s23  }
0xb: {  	s17 =	simm.s32 $0x9080;
	s28 =	simm.s32 $0xE080;
	[dreg:$0xa] =	wrdreg s7  }
0xc: {  	s29 =	simm.s32 $0xE880;
	s30 =	simm.s32 $0xF080;
	[dreg:$0xb] =	wrdreg s24  }
0xd: {  	s31 =	simm.s32 $0xF880;
	s1 =	sand.u32 $0x1, s1;
	[dreg:$0xc] =	wrdreg s8  }
0xe: {  	s4 =	sshll.u32 s0, $0x7;
	s5 =	sshll.u32 s1, $0x6;
	[dreg:$0xd] =	wrdreg s25  }
0xf: {  	s1 =	ssub.s32 $0x2, s1;
	s8 =	simm.s32 $0x2;
	[dreg:$0xe] =	wrdreg s26  }
0x10: {  	s18 =	simm.s32 $0x9880;
	s19 =	simm.s32 $0xA080;
	s20 =	simm.s32 $0xA880  }
0x11: {  	s22 =	simm.s32 $0xB880;
	s23 =	simm.s32 $0xC080;
	s24 =	simm.s32 $0xC880  }
0x12: {  	s25 =	simm.s32 $0xD080;
	s26 =	simm.s32 $0xD880;
	s4 =	sor.u32 s5, s4  }
0x13: {  	s21 =	sshrl.u32 s1, $0x1;
	s5 =	sshrl.u32 s4, $0x3;
	s4 =	sshll.u32 s4, $0x7  }
0x14: {  	s1 =	ssub.s32 s1, s21;
	s21 =	simm.s32 $0xB080;
	s5 =	sadd.s32 s6, s5  }
0x15: {  	v2 =	vlaneseq.u32;
	s3 =	sadd.s32 s3, s4;
	s4 =	sadd.s32 $0x300, s6;
	[dreg:$0x3] =	wrdreg s5  }
0x16: {  	vm0 =	vmmov $0xffff;
	v1 =	vshrl.u32 v2, $0x3;
	s7 =	smax.u32 s1, $0x1;
	s1 =	simm.s32 $0x1;
	[dreg:$0x4] =	wrdreg s3  }
0x17: {  	v0 =	vand.u32 $0x7, v2;
	v2 =	vor.u32 $0x8, v2;
	v1 =	vmul.u32 $0x8, v1;
	s3 =	sadd.s32 $0x200, s6;
	s5 =	sadd.s32 $0x400, s6;
	s6 =	sadd.s32 $0x500, s6  }
.LBB2_1:
0x18: {  	s0 =	rddreg [dreg:$0x3]  }
0x19: {  	[tilespmem:s2], [sflag:$0x2] =	stream.linear.gather [hbm4b:s0+s2], $0x40, $0x38;
	[tilespmem:$0x10080] =	vst v63  }
0x1a: {  	_ =	swait.ge [sflag:s8], $0x40  }
0x1b: {  	[sflag:s8] =	ssyncset.done $0x0  }
0x1c: {  	s10 =	rddreg [dreg:$0x4];
	[sflag:s8] =	ssyncadd.s32 $0xFFFFFFC0  }
0x1d: {  	[tilespmem:s9], [sflag:$0x2] =	stream.linear.gather [hbm4b:s10+s2], $0x10000, $0x38;
	[tilespmem:$0x10080] =	vst v63  }
0x1e: {  	_ =	swait.ge [sflag:s8], $0x10000  }
0x1f: {  	[sflag:s8] =	ssyncset.done $0x0  }
0x20: {  	[sflag:s8] =	ssyncadd.s32 $0xFFFF0000  }
0x21: {  	v3 =	vld [tilespmem:$0x0];
	_ =	sdelay $0x4  }
0x22: {  	v4 =	vshll.u32 v3, $0x3  }
0x23: {  	v3 =	vand.u32 $0x7, v3;
	v4 =	vand.u32 $0xFFFFFFC0, v4  }
0x24: {  	v3 =	vor.u32 v3, v4  }
0x25: {  	v4 =	vperm.xlane v3, v0;
	_ =	sdelay $0x1  }
0x26: {  	v4 =	vadd.s32 v1, v4;
	_ =	sdelay $0x4  }
0x27: {  	[hbm4b:s3+s2] =	stream.indirect_vreg.scatter [tilespmem:s9], [sflag:$0x1], $0x80, v4, vm0, $0xb8;
	[tilespmem:$0x10080] =	vst v63  }
0x28: {  	s0 =	rddreg [dreg:$0x5];
	v3 =	vperm.xlane v3, v2  }
0x29: {  	[hbm4b:s4+s2] =	stream.indirect_vreg.scatter [tilespmem:s0], [sflag:$0x1], $0x80, v4, vm0, $0xb8;
	[tilespmem:$0x10080] =	vst v63  }
0x2a: {  	s10 =	rddreg [dreg:$0x6];
	v3 =	vadd.s32 v1, v3  }
0x2b: {  	[hbm4b:s5+s2] =	stream.indirect_vreg.scatter [tilespmem:s10], [sflag:$0x1], $0x80, v4, vm0, $0xb8;
	[tilespmem:$0x10080] =	vst v63  }
0x2c: {  	s0 =	rddreg [dreg:$0x7]  }
0x2d: {  	[hbm4b:s6+s2] =	stream.indirect_vreg.scatter [tilespmem:s0], [sflag:$0x1], $0x80, v4, vm0, $0xb8;
	[tilespmem:$0x10080] =	vst v63  }
0x2e: {  	s10 =	rddreg [dreg:$0x8]  }
0x2f: {  	[hbm4b:s3+s2] =	stream.indirect_vreg.scatter [tilespmem:s10], [sflag:$0x1], $0x80, v3, vm0, $0xb8;
	[tilespmem:$0x10080] =	vst v63  }
0x30: {  	s0 =	rddreg [dreg:$0x9]  }
0x31: {  	[hbm4b:s4+s2] =	stream.indirect_vreg.scatter [tilespmem:s0], [sflag:$0x1], $0x80, v3, vm0, $0xb8;
	[tilespmem:$0x10080] =	vst v63  }
0x32: {  	s10 =	rddreg [dreg:$0xa]  }
0x33: {  	[hbm4b:s5+s2] =	stream.indirect_vreg.scatter [tilespmem:s10], [sflag:$0x1], $0x80, v3, vm0, $0xb8;
	[tilespmem:$0x10080] =	vst v63  }
0x34: {  	s0 =	rddreg [dreg:$0xb]  }
0x35: {  	[hbm4b:s6+s2] =	stream.indirect_vreg.scatter [tilespmem:s0], [sflag:$0x1], $0x80, v3, vm0, $0xb8;
	[tilespmem:$0x10080] =	vst v63  }
0x36: {  	v3 =	vld [tilespmem:$0x10];
	_ =	sdelay $0x4  }
0x37: {  	v61 =	vshll.u32 v3, $0x3  }
0x38: {  	v3 =	vand.u32 $0x7, v3;
	v4 =	vand.u32 $0xFFFFFFC0, v61  }
0x39: {  	v3 =	vor.u32 v3, v4  }
0x3a: {  	v4 =	vperm.xlane v3, v0;
	_ =	sdelay $0x1  }
0x3b: {  	v4 =	vadd.s32 v1, v4;
	_ =	sdelay $0x3  }
0x3c: {  	s0 =	rddreg [dreg:$0xc]  }
0x3d: {  	[hbm4b:s3+s2] =	stream.indirect_vreg.scatter [tilespmem:s0], [sflag:$0x1], $0x80, v4, vm0, $0xb8;
	[tilespmem:$0x10080] =	vst v63  }
0x3e: {  	s10 =	rddreg [dreg:$0xd];
	v3 =	vperm.xlane v3, v2  }
0x3f: {  	[hbm4b:s4+s2] =	stream.indirect_vreg.scatter [tilespmem:s10], [sflag:$0x1], $0x80, v4, vm0, $0xb8;
	[tilespmem:$0x10080] =	vst v63  }
0x40: {  	v3 =	vadd.s32 v1, v3;
	s0 =	rddreg [dreg:$0xe]  }
0x41: {  	[hbm4b:s5+s2] =	stream.indirect_vreg.scatter [tilespmem:s0], [sflag:$0x1], $0x80, v4, vm0, $0xb8;
	[tilespmem:$0x10080] =	vst v63  }
0x42: {  	s10 =	simm.s32 $0x5880  }
0x43: {  	[hbm4b:s6+s2] =	stream.indirect_vreg.scatter [tilespmem:s10], [sflag:$0x1], $0x80, v4, vm0, $0xb8;
	[tilespmem:$0x10080] =	vst v63  }
0x44: {  	_ = 	snop  }
0x45: {  	[hbm4b:s3+s2] =	stream.indirect_vreg.scatter [tilespmem:s11], [sflag:$0x1], $0x80, v3, vm0, $0xb8;
	[tilespmem:$0x10080] =	vst v63  }
0x46: {  	_ = 	snop  }
0x47: {  	[hbm4b:s4+s2] =	stream.indirect_vreg.scatter [tilespmem:s12], [sflag:$0x1], $0x80, v3, vm0, $0xb8;
	[tilespmem:$0x10080] =	vst v63  }
0x48: {  	_ = 	snop  }
0x49: {  	[hbm4b:s5+s2] =	stream.indirect_vreg.scatter [tilespmem:s13], [sflag:$0x1], $0x80, v3, vm0, $0xb8;
	[tilespmem:$0x10080] =	vst v63  }
0x4a: {  	_ = 	snop  }
0x4b: {  	[hbm4b:s6+s2] =	stream.indirect_vreg.scatter [tilespmem:s14], [sflag:$0x1], $0x80, v3, vm0, $0xb8;
	[tilespmem:$0x10080] =	vst v63  }
0x4c: {  	v3 =	vld [tilespmem:$0x20];
	_ =	sdelay $0x4  }
0x4d: {  	v62 =	vshll.u32 v3, $0x3  }
0x4e: {  	v3 =	vand.u32 $0x7, v3;
	v4 =	vand.u32 $0xFFFFFFC0, v62  }
0x4f: {  	v3 =	vor.u32 v3, v4  }
0x50: {  	v4 =	vperm.xlane v3, v0;
	_ =	sdelay $0x1  }
0x51: {  	v4 =	vadd.s32 v1, v4;
	_ =	sdelay $0x4  }
0x52: {  	[hbm4b:s3+s2] =	stream.indirect_vreg.scatter [tilespmem:s15], [sflag:$0x1], $0x80, v4, vm0, $0xb8;
	[tilespmem:$0x10080] =	vst v63  }
0x53: {  	v3 =	vperm.xlane v3, v2  }
0x54: {  	[hbm4b:s4+s2] =	stream.indirect_vreg.scatter [tilespmem:s16], [sflag:$0x1], $0x80, v4, vm0, $0xb8;
	[tilespmem:$0x10080] =	vst v63  }
0x55: {  	v3 =	vadd.s32 v1, v3  }
0x56: {  	[hbm4b:s5+s2] =	stream.indirect_vreg.scatter [tilespmem:s17], [sflag:$0x1], $0x80, v4, vm0, $0xb8;
	[tilespmem:$0x10080] =	vst v63  }
0x57: {  	_ = 	snop  }
0x58: {  	[hbm4b:s6+s2] =	stream.indirect_vreg.scatter [tilespmem:s18], [sflag:$0x1], $0x80, v4, vm0, $0xb8;
	[tilespmem:$0x10080] =	vst v63  }
0x59: {  	_ = 	snop  }
0x5a: {  	[hbm4b:s3+s2] =	stream.indirect_vreg.scatter [tilespmem:s19], [sflag:$0x1], $0x80, v3, vm0, $0xb8;
	[tilespmem:$0x10080] =	vst v63  }
0x5b: {  	_ = 	snop  }
0x5c: {  	[hbm4b:s4+s2] =	stream.indirect_vreg.scatter [tilespmem:s20], [sflag:$0x1], $0x80, v3, vm0, $0xb8;
	[tilespmem:$0x10080] =	vst v63  }
0x5d: {  	_ = 	snop  }
0x5e: {  	[hbm4b:s5+s2] =	stream.indirect_vreg.scatter [tilespmem:s21], [sflag:$0x1], $0x80, v3, vm0, $0xb8;
	[tilespmem:$0x10080] =	vst v63  }
0x5f: {  	_ = 	snop  }
0x60: {  	[hbm4b:s6+s2] =	stream.indirect_vreg.scatter [tilespmem:s22], [sflag:$0x1], $0x80, v3, vm0, $0xb8;
	[tilespmem:$0x10080] =	vst v63  }
0x61: {  	v3 =	vld [tilespmem:$0x30];
	_ =	sdelay $0x4  }
0x62: {  	v63 =	vshll.u32 v3, $0x3  }
0x63: {  	v3 =	vand.u32 $0x7, v3;
	v4 =	vand.u32 $0xFFFFFFC0, v63  }
0x64: {  	v3 =	vor.u32 v3, v4  }
0x65: {  	v4 =	vperm.xlane v3, v0;
	_ =	sdelay $0x1  }
0x66: {  	v4 =	vadd.s32 v1, v4;
	_ =	sdelay $0x4  }
0x67: {  	[hbm4b:s3+s2] =	stream.indirect_vreg.scatter [tilespmem:s23], [sflag:$0x1], $0x80, v4, vm0, $0xb8;
	[tilespmem:$0x10080] =	vst v63  }
0x68: {  	v3 =	vperm.xlane v3, v2  }
0x69: {  	[hbm4b:s4+s2] =	stream.indirect_vreg.scatter [tilespmem:s24], [sflag:$0x1], $0x80, v4, vm0, $0xb8;
	[tilespmem:$0x10080] =	vst v63  }
0x6a: {  	v3 =	vadd.s32 v1, v3  }
0x6b: {  	[hbm4b:s5+s2] =	stream.indirect_vreg.scatter [tilespmem:s25], [sflag:$0x1], $0x80, v4, vm0, $0xb8;
	[tilespmem:$0x10080] =	vst v63  }
0x6c: {  	_ = 	snop  }
0x6d: {  	[hbm4b:s6+s2] =	stream.indirect_vreg.scatter [tilespmem:s26], [sflag:$0x1], $0x80, v4, vm0, $0xb8;
	[tilespmem:$0x10080] =	vst v63  }
0x6e: {  	_ = 	snop  }
0x6f: {  	[hbm4b:s3+s2] =	stream.indirect_vreg.scatter [tilespmem:s28], [sflag:$0x1], $0x80, v3, vm0, $0xb8;
	[tilespmem:$0x10080] =	vst v63  }
0x70: {  	_ = 	snop  }
0x71: {  	[hbm4b:s4+s2] =	stream.indirect_vreg.scatter [tilespmem:s29], [sflag:$0x1], $0x80, v3, vm0, $0xb8;
	[tilespmem:$0x10080] =	vst v63  }
0x72: {  	p0 =	sne.s32 s7, $0x1  }
0x73: {  	[hbm4b:s5+s2] =	stream.indirect_vreg.scatter [tilespmem:s30], [sflag:$0x1], $0x80, v3, vm0, $0xb8;
	[tilespmem:$0x10080] =	vst v63  }
.Ltmp0:
0x74: {  	_ = 	snop;
	(pc) =	sbr.rel @p0 .LBB2_1-.Ltmp0, $4  }
0x75: {  	[hbm4b:s6+s2] =	stream.indirect_vreg.scatter [tilespmem:s31], [sflag:$0x1], $0x80, v3, vm0, $0xb8;
	[tilespmem:$0x10080] =	vst v63  }
0x76: {  	_ =	swait.ge [sflag:s1], $0x10000  }
0x77: {  	[sflag:s1] =	ssyncset.done $0x0  }
0x78: {  	s7 =	sadd.s32 $0xFFFFFFFF, s7;
	[sflag:s1] =	ssyncadd.s32 $0xFFFF0000  }
0x79: {  	_ =	sfence.sel $0x180000  }
0x7a: {  	[bflag:$0x0] =	sbarrier.arrive $0xFFFF  }
0x7b: {  	_ =	strace $0x90000047  }
0x7c: {  	s0 =	stileid.u32;
	[bflag:$0x2] =	sbarrier.arrive $0xFFFF  }
0x7d: {  	p0 =	sne.s32 s0, $0x0;
	s0 =	rddreg [dreg:$0x2]  }
0x7e: {  	s0 =	sadd.s32 @!p0 $0x100000, s0  }
0x7f: {  	[sflag:s0] =	ssyncadd.tile.s32 @!p0 $0x1;
	_ =	shalt  }
.Lfunc_end2:
_tile_overlayer_lowered:
.L_overlay_start_2:
0x80: {  	(tag) =	ssettag $0x2  }
0x81: {  	s0 =	rddreg [dreg:$0x0];
	s2 =	stileid.u32  }
0x82: {  	s1 =	rddreg [dreg:$0x1];
	p0 =	sne.s32 s2, $0x0  }
0x83: {  	s3 =	rddreg [dreg:$0x2];
	[bflag:$0x3] =	sbarrier.arrive $0xFFFF;
	s2 =	simm.s32 @!p0 $0x1C02  }
0x84: {  	[timem:s3], [sflag:s2] =	dma.local @!p0 [hbm:s0], s1  }
0x85: {  	s0 =	simm.s32 @!p0 $0x2  }
0x86: {  	_ =	swait.ge @!p0 [sflag:s0], s1  }
0x87: {  	s1 =	ssub.s32 @!p0 $0x0, s1;
	[sflag:s0] =	ssyncset.done @!p0 $0x0  }
0x88: {  	[sflag:s0] =	ssyncadd.s32 @!p0 s1  }
0x89: {  	[bflag:$0x3] =	sbarrier.arrive $0xFFFF  }
0x8a: {  	_ =	shalt  }

// kernel: kernel.8.cloned.1.call-start
scs
__scs_entry_jumppad:
0x0: {  	(pc) =	sbr.rel $0x88, $3  }
0x1: {  	(tag) =	ssettag $0x0;
	lr =	simm.s32 $0x1  }
0x2: {  	[smem:$0x3F9B] =	sst lr;
	_ =	strace $0xD0000000  }
0x3: {  	_ = 	snop  }
0x4: {  	_ = 	snop  }
0x5: {  	_ = 	snop  }
0x6: {  	_ = 	snop  }
0x7: {  	_ = 	snop  }
__scs_overlays_trampoline_lowered:
0x8: {  	[smem:$0x3FAA] =	sst s0  }
0x9: {  	[smem:$0x3FAB] =	sst s1  }
0xa: {  	[smem:$0x3FAC] =	sst s2  }
0xb: {  	[smem:$0x3FAD] =	sst s3  }
0xc: {  	[smem:$0x3FAE] =	sst s4  }
0xd: {  	[smem:$0x3FAF] =	sst s5  }
0xe: {  	[smem:$0x3FB0] =	sst s6  }
0xf: {  	[smem:$0x3FB1] =	sst s7  }
0x10: {  	[smem:$0x3FB2] =	sst s8  }
0x11: {  	[smem:$0x3FB3] =	sst s9;
	s0 =	simm.s32 @!p0 $0x0  }
0x12: {  	s1 =	sld [smem:$0x3F99];
	s0 =	simm.s32 @p0 $0x1  }
0x13: {  	[smem:$0x3FB4] =	sst s0;
	s0 =	simm.s32 @!p1 $0x0  }
0x14: {  	s2 =	sld [smem:$0x3F98];
	s0 =	simm.s32 @p1 $0x1  }
0x15: {  	[smem:$0x3FB5] =	sst s0;
	s0 =	simm.s32 @!p2 $0x0  }
0x16: {  	s3 =	sld [smem:$0x3FDB];
	s0 =	simm.s32 @p2 $0x1  }
0x17: {  	s4 =	simm.s32 $0x1BF5;
	[smem:$0x3FB7] =	sst s0  }
0x18: {  	s0 =	sld [smem:$0x3F9A];
	_ =	swait.ge [sflag:s4], $0x0  }
0x19: {  	s7 =	sld [smem:$0x3F9B]  }
0x1a: {  	s8 =	sadd.s32 $0xFFFFE003, lr  }
0x1b: {  	s9 =	sadd.s32 $0xFFFFFEF7, lr;
	s5 =	simm.s32 $0xFFFFFFFF;
	p2 =	slt.u32 s8, $0xFFFFF086  }
0x1c: {  	p1 =	slt.u32 s9, $0xF7A;
	s5 =	simm.s32 @!p2 $0x0  }
0x1d: {  	s5 =	simm.s32 @p1 $0x1;
	p0 =	seq.s32 s7, s2  }
0x1e: {  	s7 =	smul.u32 @!p0 $0xF7A, s2;
	p2 =	seq.s32 @!p0 s5, $0x0  }
0x1f: {  	s9 =	smul.u32 $0xF7A, s1;
	s8 =	simm.s32 @!p0 $0x1BF5;
	p2 =	por !p2, p0  }
0x20: {  	[sflag:s8] =	ssyncset.s32 @!p0 $0xFFFFF086;
	s6 =	sadd.s32 @!p0 s3, s7;
	s7 =	simm.s32 @!p0 $0x108  }
0x21: {  	s3 =	sadd.s32 s3, s9;
	s6 =	sadd.s32 @!p0 $0x88, s6;
	s7 =	simm.s32 @p2 $0x1082  }
0x22: {  	[simem:s7], [sflag:s8] =	dma.local @!p0 [hbm:s6], $0xF7A  }
0x23: {  	s9 =	sor.u32 $0xD0000000, s2;
	s6 =	simm.s32 $0x108;
	_ =	swait.ge @!p0 [sflag:s8], $0x0  }
0x24: {  	s3 =	sadd.s32 $0x88, s3;
	s6 =	simm.s32 @!p1 $0x1082;
	[sflag:s4] =	ssyncset.s32 $0xFFFFF086  }
0x25: {  	[simem:s6], [sflag:s4] =	dma.local [hbm:s3], $0xF7A  }
0x26: {  	[smem:$0x3F9B] =	sst s1;
	(tag) =	ssettag s2;
	_ =	strace s9  }
0x27: {  	s1 =	sld [smem:$0x3FAB]  }
0x28: {  	s2 =	sld [smem:$0x3FAC]  }
0x29: {  	s4 =	sld [smem:$0x3FAE]  }
0x2a: {  	p0 =	seq.s32 s5, $0x0;
	s5 =	sld [smem:$0x3FAF]  }
0x2b: {  	s6 =	sld [smem:$0x3FB0]  }
0x2c: {  	s7 =	sld [smem:$0x3FB1]  }
0x2d: {  	s3 =	simm.s32 $0x108;
	s8 =	sld [smem:$0x3FB2]  }
0x2e: {  	s3 =	simm.s32 @!p0 $0x1082;
	s9 =	sld [smem:$0x3FB3]  }
0x2f: {  	lr =	sadd.s32 s0, s3;
	s0 =	sld [smem:$0x3FAA]  }
0x30: {  	s3 =	sld [smem:$0x3FAD]  }
0x31: {  	[smem:$0x3FB6] =	sst s10  }
0x32: {  	s10 =	sld [smem:$0x3FB4];
	_ =	sdelay $0x3  }
0x33: {  	p0 =	seq.s32 s10, $0x1;
	s10 =	sld [smem:$0x3FB6];
	_ =	sdelay $0x3  }
0x34: {  	[smem:$0x3FB6] =	sst s10  }
0x35: {  	s10 =	sld [smem:$0x3FB5];
	_ =	sdelay $0x3  }
0x36: {  	p1 =	seq.s32 s10, $0x1;
	s10 =	sld [smem:$0x3FB6];
	_ =	sdelay $0x3  }
0x37: {  	[smem:$0x3FB6] =	sst s10  }
0x38: {  	s10 =	sld [smem:$0x3FB7]  }
0x39: {  	_ = 	snop;
	(pc) =	sbr.ind lr, $3  }
0x3a: {  	_ = 	snop  }
0x3b: {  	_ = 	snop  }
0x3c: {  	p2 =	seq.s32 s10, $0x1;
	s10 =	sld [smem:$0x3FB6]  }
0x3d: {  	_ =	shalt  }
0x3e: {  	_ =	shalt  }
0x3f: {  	_ =	shalt  }
0x40: {  	_ =	shalt  }
0x41: {  	_ =	shalt  }
0x42: {  	_ =	shalt  }
0x43: {  	_ =	shalt  }
0x44: {  	_ =	shalt  }
0x45: {  	_ =	shalt  }
0x46: {  	_ =	shalt  }
0x47: {  	_ =	shalt  }
0x48: {  	_ =	shalt  }
0x49: {  	_ =	shalt  }
0x4a: {  	_ =	shalt  }
0x4b: {  	_ =	shalt  }
0x4c: {  	_ =	shalt  }
0x4d: {  	_ =	shalt  }
0x4e: {  	_ =	shalt  }
0x4f: {  	_ =	shalt  }
0x50: {  	_ =	shalt  }
0x51: {  	_ =	shalt  }
0x52: {  	_ =	shalt  }
0x53: {  	_ =	shalt  }
0x54: {  	_ =	shalt  }
0x55: {  	_ =	shalt  }
0x56: {  	_ =	shalt  }
0x57: {  	_ =	shalt  }
0x58: {  	_ =	shalt  }
0x59: {  	_ =	shalt  }
0x5a: {  	_ =	shalt  }
0x5b: {  	_ =	shalt  }
0x5c: {  	_ =	shalt  }
0x5d: {  	_ =	shalt  }
0x5e: {  	_ =	shalt  }
0x5f: {  	_ =	shalt  }
0x60: {  	_ =	shalt  }
0x61: {  	_ =	shalt  }
0x62: {  	_ =	shalt  }
0x63: {  	_ =	shalt  }
0x64: {  	_ =	shalt  }
0x65: {  	_ =	shalt  }
0x66: {  	_ =	shalt  }
0x67: {  	_ =	shalt  }
0x68: {  	_ =	shalt  }
0x69: {  	_ =	shalt  }
0x6a: {  	_ =	shalt  }
0x6b: {  	_ =	shalt  }
0x6c: {  	_ =	shalt  }
0x6d: {  	_ =	shalt  }
0x6e: {  	_ =	shalt  }
0x6f: {  	_ =	shalt  }
0x70: {  	_ =	shalt  }
0x71: {  	_ =	shalt  }
0x72: {  	_ =	shalt  }
0x73: {  	_ =	shalt  }
0x74: {  	_ =	shalt  }
0x75: {  	_ =	shalt  }
0x76: {  	_ =	shalt  }
0x77: {  	_ =	shalt  }
0x78: {  	_ =	shalt  }
0x79: {  	_ =	shalt  }
0x7a: {  	_ =	shalt  }
0x7b: {  	_ =	shalt  }
0x7c: {  	_ =	shalt  }
0x7d: {  	_ =	shalt  }
0x7e: {  	_ =	shalt  }
0x7f: {  	_ =	shalt  }
0x80: {  	_ =	shalt  }
0x81: {  	_ =	shalt  }
0x82: {  	_ =	shalt  }
0x83: {  	_ =	shalt  }
0x84: {  	_ =	shalt  }
0x85: {  	_ =	shalt  }
0x86: {  	_ =	shalt  }
0x87: {  	_ =	shalt  }
.Lfunc_end0:
.L_simem_size_0:
called_computation.1_lowered:
.L_overlay_start_0:
0x88: {  	s2 =	sld [smem:$0x3FD9]  }
0x89: {  	s3 =	sld [smem:$0x3FFE];
	_ =	sdelay $0x1  }
0x8a: {  	s1 =	srdreg.scid  }
0x8b: {  	s0 =	sand.u32 $0x1, s1  }
0x8c: {  	s17 =	sshll.u32 s0, $0xA;
	s2 =	sadd.s32 s3, s2  }
0x8d: {  	s2 =	sadd.s32 s2, s17  }
0x8e: {  	[smem:$0x3FC2] =	sst s2  }
0x8f: {  	_ = 	snop  }
0x90: {  	s2 =	sld [smem:$0x3FD0];
	(tm) =	ssettm $0x1  }
0x91: {  	s18 =	sld [smem:$0x3FFB];
	_ =	sdelay $0x3  }
0x92: {  	_ =	strace s18  }
0x93: {  	s3 =	sld [smem:$0x3FFC];
	_ =	sdelay $0x3  }
0x94: {  	_ =	strace s3  }
0x95: {  	s3 =	sld [smem:$0x3FFD];
	_ =	sdelay $0x3  }
0x96: {  	_ =	strace s3  }
0x97: {  	_ =	strace $0x8FFFFFFF  }
0x98: {  	s19 =	sld [smem:$0x3FDB];
	_ =	sdelay $0x1  }
0x99: {  	s4 =	simm.s32 $_scs_section_size  }
0x9a: {  	s5 =	simm.s32 $_size__tile_overlayer_lowered;
	s6 =	simm.s32 $_tile_overlayer_lowered  }
0x9b: {  	s22 =	simm.s32 $0x1BFF;
	s21 =	sshll.u32 s6, $0x1;
	s3 =	sadd.s32 s4, s19  }
0x9c: {  	s7 =	simm.s32 $0x0;
	s20 =	sshll.u32 s5, $0x1;
	s5 =	sadd.s32 s21, s3  }
0x9d: {  	[timem:s7], [sflag:s22] =	dma.local [hbm:s5], s20  }
0x9e: {  	_ =	swait.ge [sflag:s22], s20  }
0x9f: {  	s4 =	ssub.s32 $0x0, s20;
	[sflag:s22] =	ssyncset.done $0x0  }
0xa0: {  	[sflag:s22] =	ssyncadd.s32 s4;
	_ =	sdelay $0x1  }
0xa1: {  	s23 =	simm.s32 $0x1B8B  }
0xa2: {  	_ =	swait.ge [sflag:s23], $0x1  }
0xa3: {  	[sflag:s23] =	ssyncset.done $0x0  }
0xa4: {  	s25 =	simm.s32 $0x1B8E;
	s24 =	sld [smem:$0x3FFE];
	[sflag:s23] =	ssyncadd.s32 $0xFFFFFFFF  }
0xa5: {  	s26 =	simm.s32 $execute0_lowered;
	[smem:$0x3FD2] =	sst s25  }
0xa6: {  	s5 =	sshll.u32 s26, $0x1;
	_ =	strace $0x80000049;
	[dreg:$0x1] =	wrdreg $0xFFFFFFFF  }
0xa7: {  	s28 =	simm.s32 $_size_execute0_lowered;
	s3 =	sadd.s32 s3, s5;
	[dreg:$0x0] =	wrdreg $0x0  }
0xa8: {  	s5 =	sshll.u32 s28, $0x1;
	[dreg:$0x2] =	wrdreg s3  }
0xa9: {  	[dreg:$0x3] =	wrdreg s5  }
0xaa: {  	[dreg:$0x4] =	wrdreg $0xC0  }
0xab: {  	_ =	task [dreg:s7], $0x5FFFF  }
0xac: {  	[dreg:$0x1] =	wrdreg $0xFFFFFFFF  }
0xad: {  	[dreg:$0x0] =	wrdreg $0x60  }
0xae: {  	[dreg:$0x2] =	wrdreg s24  }
0xaf: {  	[dreg:$0x3] =	wrdreg s2  }
0xb0: {  	[dreg:$0x4] =	wrdreg $0x9  }
0xb1: {  	_ =	task.clear_ibuf [dreg:s7], $0x5FFFF;
	_ =	strace $0x90000049  }
0xb2: {  	s29 =	simm.s32 $0x9;
	_ =	strace $0x8000004B  }
0xb3: {  	_ =	swait.ge [sflag:s29], $0x1  }
0xb4: {  	[sflag:s29] =	ssyncadd.s32 $0xFFFFFFFF  }
0xb5: {  	_ =	strace $0x9000004B  }
0xb6: {  	_ =	sfence  }
0xb7: {  	s30 =	sld [smem:$0x0];
	_ =	sdelay $0x2  }
0xb8: {  	s31 =	sshll.u32 s1, $0xD;
	s1 =	sshrl.u32 s1, $0x2  }
0xb9: {  	s3 =	sand.u32 $0x4000, s31;
	s1 =	sadd.s32 s1, s30  }
0xba: {  	s0 =	sor.u32 s3, s0;
	s1 =	sshll.u32 s1, $0x11  }
0xbb: {  	s0 =	sor.u32 s1, s0  }
0xbc: {  	s0 =	sadd.s32 $0x8F2B, s0  }
0xbd: {  	[sflag:s0] =	ssyncadd.remote.s32 $0x1  }
0xbe: {  	_ =	sfence.sel $0xFFFF  }
0xbf: {  	[dreg:$0x0] =	wrdreg $0xFFFFFFFF;
	(pc) =	sbr.abs _section_cstart, $3  }
0xc0: {  	[dreg:$0x1] =	wrdreg $0xFFFFFFFF  }
0xc1: {  	_ =	task.clear_ibuf [dreg:s7], $0x2FFFF;
	_ =	strace $0x9FFFFFFF  }
0xc2: {  	(tm) =	ssettm $0x7FFFFFFF  }
0xc3: {  	_ =	shalt  }
tec
execute0_lowered:
.L_overlay_start_1:
0x0: {  	(tag) =	ssettag $0x1  }
0x1: {  	s1 =	srdreg.scid;
	s6 =	rddreg [dreg:$0x0]  }
0x2: {  	s0 =	stileid.u32;
	s3 =	rddreg [dreg:$0x1];
	s2 =	simm.s32 $0x0  }
0x3: {  	s18 =	simm.s32 $0x880;
	s19 =	simm.s32 $0x1080;
	s20 =	simm.s32 $0x1880  }
0x4: {  	s22 =	simm.s32 $0x2080;
	s23 =	simm.s32 $0x2880;
	s7 =	simm.s32 $0x3080  }
0x5: {  	s24 =	simm.s32 $0x3880;
	s8 =	simm.s32 $0x4080;
	[smem:$0x7FF] =	sst s2  }
0x6: {  	s25 =	simm.s32 $0x4880;
	_ =	strace $0x8000004A;
	[dreg:$0x5] =	wrdreg s18  }
0x7: {  	s26 =	simm.s32 $0x5080;
	s9 =	simm.s32 $0x80;
	[dreg:$0x6] =	wrdreg s19  }
0x8: {  	s11 =	simm.s32 $0x6080;
	s12 =	simm.s32 $0x6880;
	[dreg:$0x7] =	wrdreg s20  }
0x9: {  	s13 =	simm.s32 $0x7080;
	s14 =	simm.s32 $0x7880;
	[dreg:$0x8] =	wrdreg s22  }
0xa: {  	s15 =	simm.s32 $0x8080;
	s16 =	simm.s32 $0x8880;
	[dreg:$0x9] =	wrdreg s23  }
0xb: {  	s17 =	simm.s32 $0x9080;
	s28 =	simm.s32 $0xE080;
	[dreg:$0xa] =	wrdreg s7  }
0xc: {  	s29 =	simm.s32 $0xE880;
	s30 =	simm.s32 $0xF080;
	[dreg:$0xb] =	wrdreg s24  }
0xd: {  	s31 =	simm.s32 $0xF880;
	s1 =	sand.u32 $0x1, s1;
	[dreg:$0xc] =	wrdreg s8  }
0xe: {  	s4 =	sshll.u32 s0, $0x7;
	s5 =	sshll.u32 s1, $0x6;
	[dreg:$0xd] =	wrdreg s25  }
0xf: {  	s1 =	ssub.s32 $0x2, s1;
	s8 =	simm.s32 $0x2;
	[dreg:$0xe] =	wrdreg s26  }
0x10: {  	s18 =	simm.s32 $0x9880;
	s19 =	simm.s32 $0xA080;
	s20 =	simm.s32 $0xA880  }
0x11: {  	s22 =	simm.s32 $0xB880;
	s23 =	simm.s32 $0xC080;
	s24 =	simm.s32 $0xC880  }
0x12: {  	s25 =	simm.s32 $0xD080;
	s26 =	simm.s32 $0xD880;
	s4 =	sor.u32 s5, s4  }
0x13: {  	s21 =	sshrl.u32 s1, $0x1;
	s5 =	sshrl.u32 s4, $0x3;
	s4 =	sshll.u32 s4, $0x7  }
0x14: {  	s1 =	ssub.s32 s1, s21;
	s21 =	simm.s32 $0xB080;
	s5 =	sadd.s32 s6, s5  }
0x15: {  	v2 =	vlaneseq.u32;
	s3 =	sadd.s32 s3, s4;
	s4 =	sadd.s32 $0x300, s6;
	[dreg:$0x3] =	wrdreg s5  }
0x16: {  	vm0 =	vmmov $0xffff;
	v1 =	vshrl.u32 v2, $0x3;
	s7 =	smax.u32 s1, $0x1;
	s1 =	simm.s32 $0x1;
	[dreg:$0x4] =	wrdreg s3  }
0x17: {  	v0 =	vand.u32 $0x7, v2;
	v2 =	vor.u32 $0x8, v2;
	v1 =	vmul.u32 $0x8, v1;
	s3 =	sadd.s32 $0x200, s6;
	s5 =	sadd.s32 $0x400, s6;
	s6 =	sadd.s32 $0x500, s6  }
.LBB2_1:
0x18: {  	s0 =	rddreg [dreg:$0x3]  }
0x19: {  	[tilespmem:s2], [sflag:$0x2] =	stream.linear.gather [hbm4b:s0+s2], $0x40, $0x38;
	[tilespmem:$0x10080] =	vst v63  }
0x1a: {  	_ =	swait.ge [sflag:s8], $0x40  }
0x1b: {  	[sflag:s8] =	ssyncset.done $0x0  }
0x1c: {  	[sflag:s8] =	ssyncadd.s32 $0xFFFFFFC0  }
0x1d: {  	v3 =	vld [tilespmem:$0x0];
	_ =	sdelay $0x4  }
0x1e: {  	v4 =	vshll.u32 v3, $0x3  }
0x1f: {  	v3 =	vand.u32 $0x7, v3;
	v4 =	vand.u32 $0xFFFFFFC0, v4  }
0x20: {  	v3 =	vor.u32 v3, v4  }
0x21: {  	v4 =	vperm.xlane v3, v0;
	_ =	sdelay $0x1  }
0x22: {  	v4 =	vadd.s32 v1, v4;
	_ =	sdelay $0x4  }
0x23: {  	[tilespmem:s9], [sflag:$0x1] =	stream.indirect_vreg.gather [hbm4b:s3+s2], $0x80, v4, vm0, $0xb8;
	[tilespmem:$0x10080] =	vst v63  }
0x24: {  	s0 =	rddreg [dreg:$0x5];
	v3 =	vperm.xlane v3, v2  }
0x25: {  	[tilespmem:s0], [sflag:$0x1] =	stream.indirect_vreg.gather [hbm4b:s4+s2], $0x80, v4, vm0, $0xb8;
	[tilespmem:$0x10080] =	vst v63  }
0x26: {  	s10 =	rddreg [dreg:$0x6];
	v3 =	vadd.s32 v1, v3  }
0x27: {  	[tilespmem:s10], [sflag:$0x1] =	stream.indirect_vreg.gather [hbm4b:s5+s2], $0x80, v4, vm0, $0xb8;
	[tilespmem:$0x10080] =	vst v63  }
0x28: {  	s0 =	rddreg [dreg:$0x7]  }
0x29: {  	[tilespmem:s0], [sflag:$0x1] =	stream.indirect_vreg.gather [hbm4b:s6+s2], $0x80, v4, vm0, $0xb8;
	[tilespmem:$0x10080] =	vst v63  }
0x2a: {  	s10 =	rddreg [dreg:$0x8]  }
0x2b: {  	[tilespmem:s10], [sflag:$0x1] =	stream.indirect_vreg.gather [hbm4b:s3+s2], $0x80, v3, vm0, $0xb8;
	[tilespmem:$0x10080] =	vst v63  }
0x2c: {  	s0 =	rddreg [dreg:$0x9]  }
0x2d: {  	[tilespmem:s0], [sflag:$0x1] =	stream.indirect_vreg.gather [hbm4b:s4+s2], $0x80, v3, vm0, $0xb8;
	[tilespmem:$0x10080] =	vst v63  }
0x2e: {  	s10 =	rddreg [dreg:$0xa]  }
0x2f: {  	[tilespmem:s10], [sflag:$0x1] =	stream.indirect_vreg.gather [hbm4b:s5+s2], $0x80, v3, vm0, $0xb8;
	[tilespmem:$0x10080] =	vst v63  }
0x30: {  	s0 =	rddreg [dreg:$0xb]  }
0x31: {  	[tilespmem:s0], [sflag:$0x1] =	stream.indirect_vreg.gather [hbm4b:s6+s2], $0x80, v3, vm0, $0xb8;
	[tilespmem:$0x10080] =	vst v63  }
0x32: {  	v3 =	vld [tilespmem:$0x10];
	_ =	sdelay $0x4  }
0x33: {  	v61 =	vshll.u32 v3, $0x3  }
0x34: {  	v3 =	vand.u32 $0x7, v3;
	v4 =	vand.u32 $0xFFFFFFC0, v61  }
0x35: {  	v3 =	vor.u32 v3, v4  }
0x36: {  	v4 =	vperm.xlane v3, v0;
	_ =	sdelay $0x1  }
0x37: {  	v4 =	vadd.s32 v1, v4;
	_ =	sdelay $0x3  }
0x38: {  	s0 =	rddreg [dreg:$0xc]  }
0x39: {  	[tilespmem:s0], [sflag:$0x1] =	stream.indirect_vreg.gather [hbm4b:s3+s2], $0x80, v4, vm0, $0xb8;
	[tilespmem:$0x10080] =	vst v63  }
0x3a: {  	s10 =	rddreg [dreg:$0xd];
	v3 =	vperm.xlane v3, v2  }
0x3b: {  	[tilespmem:s10], [sflag:$0x1] =	stream.indirect_vreg.gather [hbm4b:s4+s2], $0x80, v4, vm0, $0xb8;
	[tilespmem:$0x10080] =	vst v63  }
0x3c: {  	v3 =	vadd.s32 v1, v3;
	s0 =	rddreg [dreg:$0xe]  }
0x3d: {  	[tilespmem:s0], [sflag:$0x1] =	stream.indirect_vreg.gather [hbm4b:s5+s2], $0x80, v4, vm0, $0xb8;
	[tilespmem:$0x10080] =	vst v63  }
0x3e: {  	s10 =	simm.s32 $0x5880  }
0x3f: {  	[tilespmem:s10], [sflag:$0x1] =	stream.indirect_vreg.gather [hbm4b:s6+s2], $0x80, v4, vm0, $0xb8;
	[tilespmem:$0x10080] =	vst v63  }
0x40: {  	_ = 	snop  }
0x41: {  	[tilespmem:s11], [sflag:$0x1] =	stream.indirect_vreg.gather [hbm4b:s3+s2], $0x80, v3, vm0, $0xb8;
	[tilespmem:$0x10080] =	vst v63  }
0x42: {  	_ = 	snop  }
0x43: {  	[tilespmem:s12], [sflag:$0x1] =	stream.indirect_vreg.gather [hbm4b:s4+s2], $0x80, v3, vm0, $0xb8;
	[tilespmem:$0x10080] =	vst v63  }
0x44: {  	_ = 	snop  }
0x45: {  	[tilespmem:s13], [sflag:$0x1] =	stream.indirect_vreg.gather [hbm4b:s5+s2], $0x80, v3, vm0, $0xb8;
	[tilespmem:$0x10080] =	vst v63  }
0x46: {  	_ = 	snop  }
0x47: {  	[tilespmem:s14], [sflag:$0x1] =	stream.indirect_vreg.gather [hbm4b:s6+s2], $0x80, v3, vm0, $0xb8;
	[tilespmem:$0x10080] =	vst v63  }
0x48: {  	v3 =	vld [tilespmem:$0x20];
	_ =	sdelay $0x4  }
0x49: {  	v62 =	vshll.u32 v3, $0x3  }
0x4a: {  	v3 =	vand.u32 $0x7, v3;
	v4 =	vand.u32 $0xFFFFFFC0, v62  }
0x4b: {  	v3 =	vor.u32 v3, v4  }
0x4c: {  	v4 =	vperm.xlane v3, v0;
	_ =	sdelay $0x1  }
0x4d: {  	v4 =	vadd.s32 v1, v4;
	_ =	sdelay $0x4  }
0x4e: {  	[tilespmem:s15], [sflag:$0x1] =	stream.indirect_vreg.gather [hbm4b:s3+s2], $0x80, v4, vm0, $0xb8;
	[tilespmem:$0x10080] =	vst v63  }
0x4f: {  	v3 =	vperm.xlane v3, v2  }
0x50: {  	[tilespmem:s16], [sflag:$0x1] =	stream.indirect_vreg.gather [hbm4b:s4+s2], $0x80, v4, vm0, $0xb8;
	[tilespmem:$0x10080] =	vst v63  }
0x51: {  	v3 =	vadd.s32 v1, v3  }
0x52: {  	[tilespmem:s17], [sflag:$0x1] =	stream.indirect_vreg.gather [hbm4b:s5+s2], $0x80, v4, vm0, $0xb8;
	[tilespmem:$0x10080] =	vst v63  }
0x53: {  	_ = 	snop  }
0x54: {  	[tilespmem:s18], [sflag:$0x1] =	stream.indirect_vreg.gather [hbm4b:s6+s2], $0x80, v4, vm0, $0xb8;
	[tilespmem:$0x10080] =	vst v63  }
0x55: {  	_ = 	snop  }
0x56: {  	[tilespmem:s19], [sflag:$0x1] =	stream.indirect_vreg.gather [hbm4b:s3+s2], $0x80, v3, vm0, $0xb8;
	[tilespmem:$0x10080] =	vst v63  }
0x57: {  	_ = 	snop  }
0x58: {  	[tilespmem:s20], [sflag:$0x1] =	stream.indirect_vreg.gather [hbm4b:s4+s2], $0x80, v3, vm0, $0xb8;
	[tilespmem:$0x10080] =	vst v63  }
0x59: {  	_ = 	snop  }
0x5a: {  	[tilespmem:s21], [sflag:$0x1] =	stream.indirect_vreg.gather [hbm4b:s5+s2], $0x80, v3, vm0, $0xb8;
	[tilespmem:$0x10080] =	vst v63  }
0x5b: {  	_ = 	snop  }
0x5c: {  	[tilespmem:s22], [sflag:$0x1] =	stream.indirect_vreg.gather [hbm4b:s6+s2], $0x80, v3, vm0, $0xb8;
	[tilespmem:$0x10080] =	vst v63  }
0x5d: {  	v3 =	vld [tilespmem:$0x30];
	_ =	sdelay $0x4  }
0x5e: {  	v63 =	vshll.u32 v3, $0x3  }
0x5f: {  	v3 =	vand.u32 $0x7, v3;
	v4 =	vand.u32 $0xFFFFFFC0, v63  }
0x60: {  	v3 =	vor.u32 v3, v4  }
0x61: {  	v4 =	vperm.xlane v3, v0;
	_ =	sdelay $0x1  }
0x62: {  	v4 =	vadd.s32 v1, v4;
	_ =	sdelay $0x4  }
0x63: {  	[tilespmem:s23], [sflag:$0x1] =	stream.indirect_vreg.gather [hbm4b:s3+s2], $0x80, v4, vm0, $0xb8;
	[tilespmem:$0x10080] =	vst v63  }
0x64: {  	v3 =	vperm.xlane v3, v2  }
0x65: {  	[tilespmem:s24], [sflag:$0x1] =	stream.indirect_vreg.gather [hbm4b:s4+s2], $0x80, v4, vm0, $0xb8;
	[tilespmem:$0x10080] =	vst v63  }
0x66: {  	v3 =	vadd.s32 v1, v3  }
0x67: {  	[tilespmem:s25], [sflag:$0x1] =	stream.indirect_vreg.gather [hbm4b:s5+s2], $0x80, v4, vm0, $0xb8;
	[tilespmem:$0x10080] =	vst v63  }
0x68: {  	_ = 	snop  }
0x69: {  	[tilespmem:s26], [sflag:$0x1] =	stream.indirect_vreg.gather [hbm4b:s6+s2], $0x80, v4, vm0, $0xb8;
	[tilespmem:$0x10080] =	vst v63  }
0x6a: {  	_ = 	snop  }
0x6b: {  	[tilespmem:s28], [sflag:$0x1] =	stream.indirect_vreg.gather [hbm4b:s3+s2], $0x80, v3, vm0, $0xb8;
	[tilespmem:$0x10080] =	vst v63  }
0x6c: {  	_ = 	snop  }
0x6d: {  	[tilespmem:s29], [sflag:$0x1] =	stream.indirect_vreg.gather [hbm4b:s4+s2], $0x80, v3, vm0, $0xb8;
	[tilespmem:$0x10080] =	vst v63  }
0x6e: {  	_ = 	snop  }
0x6f: {  	[tilespmem:s30], [sflag:$0x1] =	stream.indirect_vreg.gather [hbm4b:s5+s2], $0x80, v3, vm0, $0xb8;
	[tilespmem:$0x10080] =	vst v63  }
0x70: {  	_ = 	snop  }
0x71: {  	[tilespmem:s31], [sflag:$0x1] =	stream.indirect_vreg.gather [hbm4b:s6+s2], $0x80, v3, vm0, $0xb8;
	[tilespmem:$0x10080] =	vst v63  }
0x72: {  	_ =	swait.ge [sflag:s1], $0x10000  }
0x73: {  	p0 =	sne.s32 s7, $0x1;
	[sflag:s1] =	ssyncset.done $0x0  }
.Ltmp0:
0x74: {  	s10 =	rddreg [dreg:$0x4];
	[sflag:s1] =	ssyncadd.s32 $0xFFFF0000;
	(pc) =	sbr.rel @p0 .LBB2_1-.Ltmp0, $4  }
0x75: {  	[hbm4b:s10+s2] =	stream.linear.scatter [tilespmem:s9], [sflag:$0x2], $0x10000, $0x38;
	[tilespmem:$0x10080] =	vst v63  }
0x76: {  	_ =	swait.ge [sflag:s8], $0x10000  }
0x77: {  	[sflag:s8] =	ssyncset.done $0x0  }
0x78: {  	s7 =	sadd.s32 $0xFFFFFFFF, s7;
	[sflag:s8] =	ssyncadd.s32 $0xFFFF0000  }
0x79: {  	_ =	sfence.sel $0x180000  }
0x7a: {  	[bflag:$0x0] =	sbarrier.arrive $0xFFFF  }
0x7b: {  	_ =	strace $0x9000004A  }
0x7c: {  	s0 =	stileid.u32;
	[bflag:$0x2] =	sbarrier.arrive $0xFFFF  }
0x7d: {  	p0 =	sne.s32 s0, $0x0;
	s0 =	rddreg [dreg:$0x2]  }
0x7e: {  	s0 =	sadd.s32 @!p0 $0x100000, s0  }
0x7f: {  	[sflag:s0] =	ssyncadd.tile.s32 @!p0 $0x1;
	_ =	shalt  }
.Lfunc_end2:
_tile_overlayer_lowered:
.L_overlay_start_2:
0x80: {  	(tag) =	ssettag $0x2  }
0x81: {  	s0 =	rddreg [dreg:$0x0];
	s2 =	stileid.u32  }
0x82: {  	s1 =	rddreg [dreg:$0x1];
	p0 =	sne.s32 s2, $0x0  }
0x83: {  	s3 =	rddreg [dreg:$0x2];
	[bflag:$0x3] =	sbarrier.arrive $0xFFFF;
	s2 =	simm.s32 @!p0 $0x1C02  }
0x84: {  	[timem:s3], [sflag:s2] =	dma.local @!p0 [hbm:s0], s1  }
0x85: {  	s0 =	simm.s32 @!p0 $0x2  }
0x86: {  	_ =	swait.ge @!p0 [sflag:s0], s1  }
0x87: {  	s1 =	ssub.s32 @!p0 $0x0, s1;
	[sflag:s0] =	ssyncset.done @!p0 $0x0  }
0x88: {  	[sflag:s0] =	ssyncadd.s32 @!p0 s1  }
0x89: {  	[bflag:$0x3] =	sbarrier.arrive $0xFFFF  }
0x8a: {  	_ =	shalt  }

</sc_bundles>
